<compile_context>
chip_gen: v7x
topology: tpu7x:2x2x1
jax: 0.10.2.dev20260603
libtpu: 0.0.44.dev20260713+nightly
codegen_flags: <defaults>
</compile_context>

<pallas_src>
import functools

import jax
import jax.numpy as jnp
from jax import lax
from jax.experimental import pallas as pl
from jax.experimental.pallas import tpu as pltpu
from jax.experimental.pallas import tpu_sc as plsc

NC = 2
NS = 16
NW = NC * NS
CHUNK = 128



def _edge_mlp_body(x_ref, eW1, eb1, eW2, eb2, y_ref):
    x = x_ref[...]
    f32 = jnp.float32
    h = jnp.maximum(jnp.dot(x, eW1[...], preferred_element_type=f32) + eb1[...], 0.0)
    y_ref[...] = jnp.dot(h, eW2[...], preferred_element_type=f32) + eb2[...]


def _grid_mlp_body(x_ref, gW1, gb1, gW2, gb2, gout_ref):
    x = x_ref[...]
    f32 = jnp.float32
    g = jnp.maximum(jnp.dot(x, gW1[...], preferred_element_type=f32) + gb1[...], 0.0)
    gout_ref[...] = x + jnp.dot(g, gW2[...], preferred_element_type=f32) + gb2[...]


def _mesh_body(a_ref, mW1, mb1, mW2, mb2, out_ref):
    x = a_ref[0] + a_ref[1]
    f32 = jnp.float32
    h = jnp.maximum(jnp.dot(x, mW1[...], preferred_element_type=f32) + mb1[...], 0.0)
    out_ref[...] = jnp.dot(h, mW2[...], preferred_element_type=f32) + mb2[...]


def _mlp_specs(br, d):
    x_spec = pl.BlockSpec((br, d), lambda i: (i, 0))
    w_spec = pl.BlockSpec((d, d), lambda i: (0, 0))
    b_spec = pl.BlockSpec((1, d), lambda i: (0, 0))
    return [x_spec, w_spec, b_spec, w_spec, b_spec]


def _row_mlp(body, x, W1, b1, W2, b2, br, x_spec=None):
    n, d = x.shape[-2:]
    specs = _mlp_specs(br, d)
    if x_spec is not None:
        specs[0] = x_spec
    return pl.pallas_call(
        body,
        grid=(n // br,),
        in_specs=specs,
        out_specs=pl.BlockSpec((br, d), lambda i: (i, 0)),
        out_shape=jax.ShapeDtypeStruct((n, d), jnp.float32),
    )(x, W1, b1.reshape(1, d), W2, b2.reshape(1, d))



def _sc_scatter_body(y_hbm, edge_hbm, zeros_hbm, out_hbm,
                     ed_c, rows_v, agg_sh, sem_g0, sem_g1, sem_i,
                     nchunk, nleft, n_mesh):
    c = lax.axis_index("c")
    s = lax.axis_index("s")
    wid = s * NC + c

    def edges_at(g):
        return edge_hbm.at[:, pl.ds(g * CHUNK, CHUNK)]

    base = (n_mesh // (NS * 8)) * 8
    last = n_mesh - base * (NS - 1)

    g0 = wid * nchunk
    pltpu.async_copy(edges_at(g0), ed_c.at[0], sem_g1)
    pltpu.async_copy(edges_at(g0 + 1), ed_c.at[1], sem_i)

    @pl.when(s < NS - 1)
    def _():
        pltpu.sync_copy(zeros_hbm.at[pl.ds(0, base)],
                        agg_sh.at[pl.ds(s * base, base)])

    @pl.when(s == NS - 1)
    def _():
        pltpu.sync_copy(zeros_hbm.at[pl.ds(0, last)],
                        agg_sh.at[pl.ds((NS - 1) * base, last)])

    plsc.subcore_barrier()

    sems = (sem_g0, sem_g1)
    pltpu.make_async_copy(edges_at(g0), ed_c.at[0], sem_g1).wait()
    pltpu.async_copy(y_hbm.at[ed_c.at[0, 0]], rows_v.at[0], sem_g0)

    def body6(jj, carry):
        for u in range(6):
            j = jj * 6 + u
            b = u % 2
            nb = 1 - b

            @pl.when(j + 1 < nchunk)
            def _():
                pltpu.make_async_copy(edges_at(g0 + j + 1),
                                      ed_c.at[(u + 1) % 3], sem_i).wait()
                pltpu.async_copy(y_hbm.at[ed_c.at[(u + 1) % 3, 0]],
                                 rows_v.at[nb], sems[nb])

            pltpu.make_async_copy(y_hbm.at[ed_c.at[u % 3, 0]], rows_v.at[b],
                                  sems[b]).wait()

            @pl.when(j + 2 < nchunk)
            def _():
                pltpu.async_copy(edges_at(g0 + j + 2), ed_c.at[(u + 2) % 3],
                                 sem_i)

            pltpu.sync_copy(rows_v.at[b], agg_sh.at[ed_c.at[u % 3, 1]],
                            add=True)
        return carry

    lax.fori_loop(0, nchunk // 6, body6, 0)

    @pl.when(wid < nleft)
    def _():
        gl = NW * nchunk + wid
        pltpu.sync_copy(edges_at(gl), ed_c.at[0])
        pltpu.async_copy(y_hbm.at[ed_c.at[0, 0]], rows_v.at[0], sem_g0).wait()
        pltpu.sync_copy(rows_v.at[0], agg_sh.at[ed_c.at[0, 1]], add=True)

    plsc.subcore_barrier()

    @pl.when(s < NS - 1)
    def _():
        pltpu.sync_copy(agg_sh.at[pl.ds(s * base, base)],
                        out_hbm.at[c, pl.ds(s * base, base)])

    @pl.when(s == NS - 1)
    def _():
        pltpu.sync_copy(agg_sh.at[pl.ds((NS - 1) * base, last)],
                        out_hbm.at[c, pl.ds((NS - 1) * base, last)])



def kernel(grid_x, mesh_x, edge_index,
           eW1, eb1, eW2, eb2,
           mW1, mb1, mW2, mb2,
           gW1, gb1, gW2, gb2):
    n_grid, d = grid_x.shape
    n_mesh = mesh_x.shape[0]
    e = edge_index.shape[1]
    total_chunks = e // CHUNK
    nchunk = total_chunks // NW
    nleft = total_chunks - nchunk * NW

    zrows = (n_mesh // (NS * 8)) * 8 + 16
    zeros = jnp.zeros((zrows, d), dtype=jnp.float32)

    br = 5000
    y = _row_mlp(_edge_mlp_body, grid_x, eW1, eb1, eW2, eb2, br)

    mesh_sc = plsc.VectorSubcoreMesh(
        core_axis_name="c", subcore_axis_name="s",
        num_cores=NC, num_subcores=NS)
    agg2 = pl.kernel(
        functools.partial(_sc_scatter_body, nchunk=nchunk, nleft=nleft,
                          n_mesh=n_mesh),
        out_type=jax.ShapeDtypeStruct((NC, n_mesh, d), jnp.float32),
        mesh=mesh_sc,
        scratch_types=[
            pltpu.VMEM((3, 2, CHUNK), jnp.int32),
            pltpu.VMEM((2, CHUNK, d), jnp.float32),
            pltpu.VMEM_SHARED((n_mesh, d), jnp.float32),
            pltpu.SemaphoreType.DMA,
            pltpu.SemaphoreType.DMA,
            pltpu.SemaphoreType.DMA,
        ],
    )(y, edge_index, zeros)

    grid_out = _row_mlp(_grid_mlp_body, grid_x, gW1, gb1, gW2, gb2, br)

    mesh_out = _row_mlp(
        _mesh_body, agg2, mW1, mb1, mW2, mb2, br,
        x_spec=pl.BlockSpec((2, br, d), lambda i: (0, i, 0)))

    return grid_out, mesh_out

# --- scband reference (transcript-rebuilt; emitter-appended) ---
"""Pipeline reference for scband-grid2-mesh-gnn-58171037057100 (READ-ONLY COPY).

The authoritative reference and input builder live on the scoring server;
editing this copy changes nothing except your own understanding.
"""

import jax, jax.numpy as jnp
import numpy as np

N_GRID = 10000
N_MESH = 10000
E = 320000
D = 128
HID = 128


def _mlp(x, W1, b1, W2, b2):
    h = jnp.maximum(x @ W1 + b1, 0.0)
    return h @ W2 + b2


def setup_inputs(seed: int = 0):
    key = jax.random.key(seed)
    ks = jax.random.split(key, 16)
    grid_x = jax.random.normal(ks[0], (N_GRID, D), dtype=jnp.float32)
    mesh_x = jnp.zeros((N_MESH, 0), dtype=jnp.float32)
    edge_index = jax.random.randint(ks[1], (2, E), 0, N_GRID)
    s = 0.05
    # edge_mlp: in = edge_dim + grid_node_dim + mesh_node_dim = 0 + 128 + 0 = 128
    eW1 = jax.random.normal(ks[2], (D, HID), dtype=jnp.float32) * s
    eb1 = jnp.zeros((HID,), dtype=jnp.float32)
    eW2 = jax.random.normal(ks[3], (HID, HID), dtype=jnp.float32) * s
    eb2 = jnp.zeros((HID,), dtype=jnp.float32)
    # mesh_mlp: in = mesh_node_dim + hid = 0 + 128 = 128
    mW1 = jax.random.normal(ks[4], (HID, HID), dtype=jnp.float32) * s
    mb1 = jnp.zeros((HID,), dtype=jnp.float32)
    mW2 = jax.random.normal(ks[5], (HID, HID), dtype=jnp.float32) * s
    mb2 = jnp.zeros((HID,), dtype=jnp.float32)
    # grid_mlp: in = grid_node_dim = 128
    gW1 = jax.random.normal(ks[6], (D, HID), dtype=jnp.float32) * s
    gb1 = jnp.zeros((HID,), dtype=jnp.float32)
    gW2 = jax.random.normal(ks[7], (HID, HID), dtype=jnp.float32) * s
    gb2 = jnp.zeros((HID,), dtype=jnp.float32)
    return {
        "grid_x": grid_x, "mesh_x": mesh_x, "edge_index": edge_index,
        "eW1": eW1, "eb1": eb1, "eW2": eW2, "eb2": eb2,
        "mW1": mW1, "mb1": mb1, "mW2": mW2, "mb2": mb2,
        "gW1": gW1, "gb1": gb1, "gW2": gW2, "gb2": gb2,
    }


def reference(grid_x, mesh_x, edge_index,
              eW1, eb1, eW2, eb2,
              mW1, mb1, mW2, mb2,
              gW1, gb1, gW2, gb2):
    src = edge_index[0]
    dst = edge_index[1]
    # edge update: gather source grid-node features, run edge MLP
    edge_new = _mlp(jnp.take(grid_x, src, axis=0), eW1, eb1, eW2, eb2)
    # scatter-add edge messages into mesh nodes (pyg.utils.scatter reduce='sum')
    agg = jax.ops.segment_sum(edge_new, dst, num_segments=mesh_x.shape[0])
    mesh_new = _mlp(agg, mW1, mb1, mW2, mb2)
    grid_new = _mlp(grid_x, gW1, gb1, gW2, gb2)
    grid_out = grid_x + grid_new
    mesh_out = mesh_new
    return grid_out, mesh_out

if __name__ == "__main__":
    import jax
    _d = setup_inputs()
    print(jax.jit(kernel)(*tuple(_d.values())))

</pallas_src>

<mosaic_0001>
#map = affine_map<(d0, d1) -> (0, 0)>
#map1 = affine_map<(d0, d1) -> (0, 0, 0)>
module attributes {stable_mosaic.version = 14 : i64} {
  func.func @_sc_scatter_body(%arg0: i32, %arg1: i32, %arg2: memref<10000x128xf32, #tpu.memory_space<hbm>>, %arg3: memref<2x320000xi32, #tpu.memory_space<hbm>>, %arg4: memref<640x128xf32, #tpu.memory_space<hbm>>, %arg5: memref<2x10000x128xf32, #tpu.memory_space<hbm>>, %arg6: memref<3x2x128xi32, #tpu.memory_space<vmem>>, %arg7: memref<2x128x128xf32, #tpu.memory_space<vmem>>, %arg8: memref<10000x128xf32, #tpu.memory_space<vmem_shared>>, %arg9: memref<!tpu.dma_semaphore, #tpu.memory_space<semaphore_mem>>, %arg10: memref<!tpu.dma_semaphore, #tpu.memory_space<semaphore_mem>>, %arg11: memref<!tpu.dma_semaphore, #tpu.memory_space<semaphore_mem>>) attributes {dimension_semantics = [#tpu.dimension_semantics<core_parallel>, #tpu.dimension_semantics<subcore_parallel>], iteration_bounds = array<i64: 2, 16>, scalar_prefetch = 0 : i64, scratch_operands = 6 : i64, tpu.core_type = #tpu.core_type<sc_vector_subcore>, window_params = [{transform_indices = #map}, {transform_indices = #map}, {transform_indices = #map}, {transform_indices = #map1}]} {
    %mul3A = arith.constant 2 : i32
    %mul3A_0 = arith.muli %arg1, %mul3A : i32
    %add3A = arith.addi %mul3A_0, %arg0 : i32
    %mul3A_1 = arith.constant 78 : i32
    %mul3A_2 = arith.muli %add3A, %mul3A_1 : i32
    %mul3A_3 = arith.constant 128 : i32
    %mul3A_4 = arith.muli %mul3A_2, %mul3A_3 : i32
    %dma_start3A = arith.constant 0 : i32
    %dma_start3A_5 = arith.constant 0 : i32
    %dma_start3A_6 = arith.constant 0 : i32
    %dma_start3A_7 = tpu.memref_slice %arg6[%dma_start3A, %dma_start3A_5, %dma_start3A_6] : memref<3x2x128xi32, #tpu.memory_space<vmem>> -> memref<1x2x128xi32, #tpu.memory_space<vmem>>
    %dma_start3A_8 = tpu.memref_squeeze %dma_start3A_7 : memref<1x2x128xi32, #tpu.memory_space<vmem>> -> memref<2x128xi32, #tpu.memory_space<vmem>>
    %dma_start3A_9 = arith.constant 0 : i32
    %dma_start3A_10 = tpu.memref_slice %arg3[%dma_start3A_9, %mul3A_4] : memref<2x320000xi32, #tpu.memory_space<hbm>> -> memref<2x128xi32, #tpu.memory_space<hbm>>
    %dma_start3A_11 = arith.constant 0 : i32
    %dma_start3A_12 = arith.constant 0 : i32
    %dma_start3A_13 = tpu.memref_slice %arg6[%dma_start3A, %dma_start3A_11, %dma_start3A_12] : memref<3x2x128xi32, #tpu.memory_space<vmem>> -> memref<1x2x128xi32, #tpu.memory_space<vmem>>
    %dma_start3A_14 = tpu.memref_squeeze %dma_start3A_13 : memref<1x2x128xi32, #tpu.memory_space<vmem>> -> memref<2x128xi32, #tpu.memory_space<vmem>>
    %dma_start3A_15 = arith.constant 0 : i32
    %dma_start3A_16 = tpu.memref_slice %arg3[%dma_start3A_15, %mul3A_4] : memref<2x320000xi32, #tpu.memory_space<hbm>> -> memref<2x128xi32, #tpu.memory_space<hbm>>
    tpu.enqueue_dma source(%dma_start3A_16 : memref<2x128xi32, #tpu.memory_space<hbm>>) target(%dma_start3A_14 : memref<2x128xi32, #tpu.memory_space<vmem>>) target_semaphore(%arg10 : memref<!tpu.dma_semaphore, #tpu.memory_space<semaphore_mem>>)
    %add3A_17 = arith.constant 1 : i32
    %add3A_18 = arith.addi %mul3A_2, %add3A_17 : i32
    %mul3A_19 = arith.constant 128 : i32
    %mul3A_20 = arith.muli %add3A_18, %mul3A_19 : i32
    %dma_start3A_21 = arith.constant 1 : i32
    %dma_start3A_22 = arith.constant 0 : i32
    %dma_start3A_23 = arith.constant 0 : i32
    %dma_start3A_24 = tpu.memref_slice %arg6[%dma_start3A_21, %dma_start3A_22, %dma_start3A_23] : memref<3x2x128xi32, #tpu.memory_space<vmem>> -> memref<1x2x128xi32, #tpu.memory_space<vmem>>
    %dma_start3A_25 = tpu.memref_squeeze %dma_start3A_24 : memref<1x2x128xi32, #tpu.memory_space<vmem>> -> memref<2x128xi32, #tpu.memory_space<vmem>>
    %dma_start3A_26 = arith.constant 0 : i32
    %dma_start3A_27 = tpu.memref_slice %arg3[%dma_start3A_26, %mul3A_20] : memref<2x320000xi32, #tpu.memory_space<hbm>> -> memref<2x128xi32, #tpu.memory_space<hbm>>
    %dma_start3A_28 = arith.constant 0 : i32
    %dma_start3A_29 = arith.constant 0 : i32
    %dma_start3A_30 = tpu.memref_slice %arg6[%dma_start3A_21, %dma_start3A_28, %dma_start3A_29] : memref<3x2x128xi32, #tpu.memory_space<vmem>> -> memref<1x2x128xi32, #tpu.memory_space<vmem>>
    %dma_start3A_31 = tpu.memref_squeeze %dma_start3A_30 : memref<1x2x128xi32, #tpu.memory_space<vmem>> -> memref<2x128xi32, #tpu.memory_space<vmem>>
    %dma_start3A_32 = arith.constant 0 : i32
    %dma_start3A_33 = tpu.memref_slice %arg3[%dma_start3A_32, %mul3A_20] : memref<2x320000xi32, #tpu.memory_space<hbm>> -> memref<2x128xi32, #tpu.memory_space<hbm>>
    tpu.enqueue_dma source(%dma_start3A_33 : memref<2x128xi32, #tpu.memory_space<hbm>>) target(%dma_start3A_31 : memref<2x128xi32, #tpu.memory_space<vmem>>) target_semaphore(%arg11 : memref<!tpu.dma_semaphore, #tpu.memory_space<semaphore_mem>>)
    %lt3A = arith.constant 15 : i32
    %lt3A_34 = arith.cmpi slt, %arg1, %lt3A : i32
    %convert_element_type3A = arith.extui %lt3A_34 : i1 to i32
    %cond3A = arith.constant 0 : i32
    %cond3A_35 = arith.cmpi ne, %convert_element_type3A, %cond3A : i32
    scf.if %cond3A_35 {
      %mul3A_88 = arith.constant 624 : i32
      %mul3A_89 = arith.muli %arg1, %mul3A_88 : i32
      "tpu.region"() ({
        %run_scoped3A = tpu.sem_alloc : memref<!tpu.dma_semaphore, #tpu.memory_space<semaphore_mem>>
        %dma_start3A_90 = arith.constant 0 : i32
        %dma_start3A_91 = tpu.memref_slice %arg8[%mul3A_89, %dma_start3A_90] : memref<10000x128xf32, #tpu.memory_space<vmem_shared>> -> memref<624x128xf32, #tpu.memory_space<vmem_shared>>
        %dma_start3A_92 = arith.constant 0 : i32
        %dma_start3A_93 = arith.constant 0 : i32
        %dma_start3A_94 = tpu.memref_slice %arg4[%dma_start3A_92, %dma_start3A_93] : memref<640x128xf32, #tpu.memory_space<hbm>> -> memref<624x128xf32, #tpu.memory_space<hbm>>
        tpu.enqueue_dma source(%dma_start3A_94 : memref<624x128xf32, #tpu.memory_space<hbm>>) target(%dma_start3A_91 : memref<624x128xf32, #tpu.memory_space<vmem_shared>>) target_semaphore(%run_scoped3A : memref<!tpu.dma_semaphore, #tpu.memory_space<semaphore_mem>>)
        %dma_wait3A_95 = arith.constant 0 : i32
        %dma_wait3A_96 = tpu.memref_slice %arg8[%mul3A_89, %dma_wait3A_95] : memref<10000x128xf32, #tpu.memory_space<vmem_shared>> -> memref<624x128xf32, #tpu.memory_space<vmem_shared>>
        %dma_wait3A_97 = arith.constant 0 : i32
        %dma_wait3A_98 = arith.constant 0 : i32
        %dma_wait3A_99 = tpu.memref_slice %arg4[%dma_wait3A_97, %dma_wait3A_98] : memref<640x128xf32, #tpu.memory_space<hbm>> -> memref<624x128xf32, #tpu.memory_space<hbm>>
        tpu.wait_dma2 semaphore(%run_scoped3A : memref<!tpu.dma_semaphore, #tpu.memory_space<semaphore_mem>>) src(%dma_wait3A_99 : memref<624x128xf32, #tpu.memory_space<hbm>>) dst(%dma_wait3A_96 : memref<624x128xf32, #tpu.memory_space<vmem_shared>>)
        tpu.yield
      }) : () -> ()
    } else {
    }
    %eq3A = arith.constant 15 : i32
    %eq3A_36 = arith.cmpi eq, %arg1, %eq3A : i32
    %convert_element_type3A_37 = arith.extui %eq3A_36 : i1 to i32
    %cond3A_38 = arith.constant 0 : i32
    %cond3A_39 = arith.cmpi ne, %convert_element_type3A_37, %cond3A_38 : i32
    scf.if %cond3A_39 {
      "tpu.region"() ({
        %run_scoped3A = tpu.sem_alloc : memref<!tpu.dma_semaphore, #tpu.memory_space<semaphore_mem>>
        %dma_start3A_88 = arith.constant 9360 : i32
        %dma_start3A_89 = arith.constant 0 : i32
        %dma_start3A_90 = tpu.memref_slice %arg8[%dma_start3A_88, %dma_start3A_89] : memref<10000x128xf32, #tpu.memory_space<vmem_shared>> -> memref<640x128xf32, #tpu.memory_space<vmem_shared>>
        %dma_start3A_91 = arith.constant 0 : i32
        %dma_start3A_92 = arith.constant 0 : i32
        %dma_start3A_93 = tpu.memref_slice %arg4[%dma_start3A_91, %dma_start3A_92] : memref<640x128xf32, #tpu.memory_space<hbm>> -> memref<640x128xf32, #tpu.memory_space<hbm>>
        tpu.enqueue_dma source(%dma_start3A_93 : memref<640x128xf32, #tpu.memory_space<hbm>>) target(%dma_start3A_90 : memref<640x128xf32, #tpu.memory_space<vmem_shared>>) target_semaphore(%run_scoped3A : memref<!tpu.dma_semaphore, #tpu.memory_space<semaphore_mem>>)
        %dma_wait3A_94 = arith.constant 9360 : i32
        %dma_wait3A_95 = arith.constant 0 : i32
        %dma_wait3A_96 = tpu.memref_slice %arg8[%dma_wait3A_94, %dma_wait3A_95] : memref<10000x128xf32, #tpu.memory_space<vmem_shared>> -> memref<640x128xf32, #tpu.memory_space<vmem_shared>>
        %dma_wait3A_97 = arith.constant 0 : i32
        %dma_wait3A_98 = arith.constant 0 : i32
        %dma_wait3A_99 = tpu.memref_slice %arg4[%dma_wait3A_97, %dma_wait3A_98] : memref<640x128xf32, #tpu.memory_space<hbm>> -> memref<640x128xf32, #tpu.memory_space<hbm>>
        tpu.wait_dma2 semaphore(%run_scoped3A : memref<!tpu.dma_semaphore, #tpu.memory_space<semaphore_mem>>) src(%dma_wait3A_99 : memref<640x128xf32, #tpu.memory_space<hbm>>) dst(%dma_wait3A_96 : memref<640x128xf32, #tpu.memory_space<vmem_shared>>)
        tpu.yield
      }) : () -> ()
    } else {
    }
    %barrier3A = arith.constant 0 : index
    tpu.barrier barrier_id(%barrier3A)
    %mul3A_40 = arith.constant 128 : i32
    %mul3A_41 = arith.muli %mul3A_2, %mul3A_40 : i32
    %dma_wait3A = arith.constant 0 : i32
    %dma_wait3A_42 = arith.constant 0 : i32
    %dma_wait3A_43 = arith.constant 0 : i32
    %dma_wait3A_44 = tpu.memref_slice %arg6[%dma_wait3A, %dma_wait3A_42, %dma_wait3A_43] : memref<3x2x128xi32, #tpu.memory_space<vmem>> -> memref<1x2x128xi32, #tpu.memory_space<vmem>>
    %dma_wait3A_45 = tpu.memref_squeeze %dma_wait3A_44 : memref<1x2x128xi32, #tpu.memory_space<vmem>> -> memref<2x128xi32, #tpu.memory_space<vmem>>
    %dma_wait3A_46 = arith.constant 0 : i32
    %dma_wait3A_47 = tpu.memref_slice %arg3[%dma_wait3A_46, %mul3A_41] : memref<2x320000xi32, #tpu.memory_space<hbm>> -> memref<2x128xi32, #tpu.memory_space<hbm>>
    %dma_wait3A_48 = arith.constant 0 : i32
    %dma_wait3A_49 = arith.constant 0 : i32
    %dma_wait3A_50 = tpu.memref_slice %arg6[%dma_wait3A, %dma_wait3A_48, %dma_wait3A_49] : memref<3x2x128xi32, #tpu.memory_space<vmem>> -> memref<1x2x128xi32, #tpu.memory_space<vmem>>
    %dma_wait3A_51 = tpu.memref_squeeze %dma_wait3A_50 : memref<1x2x128xi32, #tpu.memory_space<vmem>> -> memref<2x128xi32, #tpu.memory_space<vmem>>
    %dma_wait3A_52 = arith.constant 0 : i32
    %dma_wait3A_53 = tpu.memref_slice %arg3[%dma_wait3A_52, %mul3A_41] : memref<2x320000xi32, #tpu.memory_space<hbm>> -> memref<2x128xi32, #tpu.memory_space<hbm>>
    tpu.wait_dma2 semaphore(%arg10 : memref<!tpu.dma_semaphore, #tpu.memory_space<semaphore_mem>>) src(%dma_wait3A_53 : memref<2x128xi32, #tpu.memory_space<hbm>>) dst(%dma_wait3A_51 : memref<2x128xi32, #tpu.memory_space<vmem>>)
    %dma_start3A_54 = arith.constant 0 : i32
    %dma_start3A_55 = arith.constant 0 : i32
    %dma_start3A_56 = arith.constant 0 : i32
    %dma_start3A_57 = arith.constant 0 : i32
    %dma_start3A_58 = arith.constant 0 : i32
    %dma_start3A_59 = tpu.memref_slice %arg7[%dma_start3A_56, %dma_start3A_57, %dma_start3A_58] : memref<2x128x128xf32, #tpu.memory_space<vmem>> -> memref<1x128x128xf32, #tpu.memory_space<vmem>>
    %dma_start3A_60 = tpu.memref_squeeze %dma_start3A_59 : memref<1x128x128xf32, #tpu.memory_space<vmem>> -> memref<128x128xf32, #tpu.memory_space<vmem>>
    %dma_start3A_61 = arith.constant 0 : i32
    %dma_start3A_62 = tpu.memref_slice %arg6[%dma_start3A_54, %dma_start3A_55, %dma_start3A_61] : memref<3x2x128xi32, #tpu.memory_space<vmem>> -> memref<1x1x128xi32, #tpu.memory_space<vmem>>
    %dma_start3A_63 = tpu.memref_squeeze %dma_start3A_62 : memref<1x1x128xi32, #tpu.memory_space<vmem>> -> memref<128xi32, #tpu.memory_space<vmem>>
    %dma_start3A_64 = arith.constant 0 : i32
    %dma_start3A_65 = arith.constant 0 : i32
    %dma_start3A_66 = tpu.memref_slice %arg2[%dma_start3A_64, %dma_start3A_65] : memref<10000x128xf32, #tpu.memory_space<hbm>> -> memref<10000x128xf32, #tpu.memory_space<hbm>>
    tpu.enqueue_indirect_dma source(%dma_start3A_66 : memref<10000x128xf32, #tpu.memory_space<hbm>>) target(%dma_start3A_60 : memref<128x128xf32, #tpu.memory_space<vmem>>) offsets(%dma_start3A_63 : memref<128xi32, #tpu.memory_space<vmem>>) semaphore(%arg9 : memref<!tpu.dma_semaphore, #tpu.memory_space<semaphore_mem>>)
    %scan3A = arith.constant 0 : i32
    %scan3A_67 = arith.constant 0 : i32
    %scan3A_68 = arith.constant 13 : i32
    %scan3A_69 = arith.addi %scan3A_67, %scan3A_68 : i32
    %scan3A_70 = arith.constant 1 : i32
    scf.for %scan3A_88 = %scan3A_67 to %scan3A_69 step %scan3A_70  : i32 {
      %mul3A_89 = arith.constant 6 : i32
      %mul3A_90 = arith.muli %scan3A_88, %mul3A_89 : i32
      %add3A_91 = arith.constant 0 : i32
      %add3A_92 = arith.addi %mul3A_90, %add3A_91 : i32
      %add3A_93 = arith.constant 1 : i32
      %add3A_94 = arith.addi %add3A_92, %add3A_93 : i32
      %lt3A_95 = arith.constant 78 : i32
      %lt3A_96 = arith.cmpi slt, %add3A_94, %lt3A_95 : i32
      %convert_element_type3A_97 = arith.extui %lt3A_96 : i1 to i32
      %cond3A_98 = arith.constant 0 : i32
      %cond3A_99 = arith.cmpi ne, %convert_element_type3A_97, %cond3A_98 : i32
      scf.if %cond3A_99 {
        %add3A_292 = arith.addi %mul3A_2, %add3A_92 : i32
        %add3A_293 = arith.constant 1 : i32
        %add3A_294 = arith.addi %add3A_292, %add3A_293 : i32
        %mul3A_295 = arith.constant 128 : i32
        %mul3A_296 = arith.muli %add3A_294, %mul3A_295 : i32
        %dma_wait3A_297 = arith.constant 1 : i32
        %dma_wait3A_298 = arith.constant 0 : i32
        %dma_wait3A_299 = arith.constant 0 : i32
        %dma_wait3A_300 = tpu.memref_slice %arg6[%dma_wait3A_297, %dma_wait3A_298, %dma_wait3A_299] : memref<3x2x128xi32, #tpu.memory_space<vmem>> -> memref<1x2x128xi32, #tpu.memory_space<vmem>>
        %dma_wait3A_301 = tpu.memref_squeeze %dma_wait3A_300 : memref<1x2x128xi32, #tpu.memory_space<vmem>> -> memref<2x128xi32, #tpu.memory_space<vmem>>
        %dma_wait3A_302 = arith.constant 0 : i32
        %dma_wait3A_303 = tpu.memref_slice %arg3[%dma_wait3A_302, %mul3A_296] : memref<2x320000xi32, #tpu.memory_space<hbm>> -> memref<2x128xi32, #tpu.memory_space<hbm>>
        %dma_wait3A_304 = arith.constant 0 : i32
        %dma_wait3A_305 = arith.constant 0 : i32
        %dma_wait3A_306 = tpu.memref_slice %arg6[%dma_wait3A_297, %dma_wait3A_304, %dma_wait3A_305] : memref<3x2x128xi32, #tpu.memory_space<vmem>> -> memref<1x2x128xi32, #tpu.memory_space<vmem>>
        %dma_wait3A_307 = tpu.memref_squeeze %dma_wait3A_306 : memref<1x2x128xi32, #tpu.memory_space<vmem>> -> memref<2x128xi32, #tpu.memory_space<vmem>>
        %dma_wait3A_308 = arith.constant 0 : i32
        %dma_wait3A_309 = tpu.memref_slice %arg3[%dma_wait3A_308, %mul3A_296] : memref<2x320000xi32, #tpu.memory_space<hbm>> -> memref<2x128xi32, #tpu.memory_space<hbm>>
        tpu.wait_dma2 semaphore(%arg11 : memref<!tpu.dma_semaphore, #tpu.memory_space<semaphore_mem>>) src(%dma_wait3A_309 : memref<2x128xi32, #tpu.memory_space<hbm>>) dst(%dma_wait3A_307 : memref<2x128xi32, #tpu.memory_space<vmem>>)
        %dma_start3A_310 = arith.constant 1 : i32
        %dma_start3A_311 = arith.constant 0 : i32
        %dma_start3A_312 = arith.constant 1 : i32
        %dma_start3A_313 = arith.constant 0 : i32
        %dma_start3A_314 = arith.constant 0 : i32
        %dma_start3A_315 = tpu.memref_slice %arg7[%dma_start3A_312, %dma_start3A_313, %dma_start3A_314] : memref<2x128x128xf32, #tpu.memory_space<vmem>> -> memref<1x128x128xf32, #tpu.memory_space<vmem>>
        %dma_start3A_316 = tpu.memref_squeeze %dma_start3A_315 : memref<1x128x128xf32, #tpu.memory_space<vmem>> -> memref<128x128xf32, #tpu.memory_space<vmem>>
        %dma_start3A_317 = arith.constant 0 : i32
        %dma_start3A_318 = tpu.memref_slice %arg6[%dma_start3A_310, %dma_start3A_311, %dma_start3A_317] : memref<3x2x128xi32, #tpu.memory_space<vmem>> -> memref<1x1x128xi32, #tpu.memory_space<vmem>>
        %dma_start3A_319 = tpu.memref_squeeze %dma_start3A_318 : memref<1x1x128xi32, #tpu.memory_space<vmem>> -> memref<128xi32, #tpu.memory_space<vmem>>
        %dma_start3A_320 = arith.constant 0 : i32
        %dma_start3A_321 = arith.constant 0 : i32
        %dma_start3A_322 = tpu.memref_slice %arg2[%dma_start3A_320, %dma_start3A_321] : memref<10000x128xf32, #tpu.memory_space<hbm>> -> memref<10000x128xf32, #tpu.memory_space<hbm>>
        tpu.enqueue_indirect_dma source(%dma_start3A_322 : memref<10000x128xf32, #tpu.memory_space<hbm>>) target(%dma_start3A_316 : memref<128x128xf32, #tpu.memory_space<vmem>>) offsets(%dma_start3A_319 : memref<128xi32, #tpu.memory_space<vmem>>) semaphore(%arg10 : memref<!tpu.dma_semaphore, #tpu.memory_space<semaphore_mem>>)
      } else {
      }
      %dma_wait3A_100 = arith.constant 0 : i32
      %dma_wait3A_101 = arith.constant 0 : i32
      %dma_wait3A_102 = arith.constant 0 : i32
      %dma_wait3A_103 = arith.constant 0 : i32
      %dma_wait3A_104 = arith.constant 0 : i32
      %dma_wait3A_105 = tpu.memref_slice %arg7[%dma_wait3A_102, %dma_wait3A_103, %dma_wait3A_104] : memref<2x128x128xf32, #tpu.memory_space<vmem>> -> memref<1x128x128xf32, #tpu.memory_space<vmem>>
      %dma_wait3A_106 = tpu.memref_squeeze %dma_wait3A_105 : memref<1x128x128xf32, #tpu.memory_space<vmem>> -> memref<128x128xf32, #tpu.memory_space<vmem>>
      %dma_wait3A_107 = arith.constant 0 : i32
      %dma_wait3A_108 = tpu.memref_slice %arg6[%dma_wait3A_100, %dma_wait3A_101, %dma_wait3A_107] : memref<3x2x128xi32, #tpu.memory_space<vmem>> -> memref<1x1x128xi32, #tpu.memory_space<vmem>>
      %dma_wait3A_109 = tpu.memref_squeeze %dma_wait3A_108 : memref<1x1x128xi32, #tpu.memory_space<vmem>> -> memref<128xi32, #tpu.memory_space<vmem>>
      %dma_wait3A_110 = arith.constant 0 : i32
      %dma_wait3A_111 = arith.constant 0 : i32
      %dma_wait3A_112 = tpu.memref_slice %arg2[%dma_wait3A_110, %dma_wait3A_111] : memref<10000x128xf32, #tpu.memory_space<hbm>> -> memref<10000x128xf32, #tpu.memory_space<hbm>>
      tpu.wait_indirect_dma semaphore(%arg9 : memref<!tpu.dma_semaphore, #tpu.memory_space<semaphore_mem>>) src(%dma_wait3A_112 : memref<10000x128xf32, #tpu.memory_space<hbm>>) dst(%dma_wait3A_106 : memref<128x128xf32, #tpu.memory_space<vmem>>)
      %add3A_113 = arith.constant 2 : i32
      %add3A_114 = arith.addi %add3A_92, %add3A_113 : i32
      %lt3A_115 = arith.constant 78 : i32
      %lt3A_116 = arith.cmpi slt, %add3A_114, %lt3A_115 : i32
      %convert_element_type3A_117 = arith.extui %lt3A_116 : i1 to i32
      %cond3A_118 = arith.constant 0 : i32
      %cond3A_119 = arith.cmpi ne, %convert_element_type3A_117, %cond3A_118 : i32
      scf.if %cond3A_119 {
        %add3A_292 = arith.addi %mul3A_2, %add3A_92 : i32
        %add3A_293 = arith.constant 2 : i32
        %add3A_294 = arith.addi %add3A_292, %add3A_293 : i32
        %mul3A_295 = arith.constant 128 : i32
        %mul3A_296 = arith.muli %add3A_294, %mul3A_295 : i32
        %dma_start3A_297 = arith.constant 2 : i32
        %dma_start3A_298 = arith.constant 0 : i32
        %dma_start3A_299 = arith.constant 0 : i32
        %dma_start3A_300 = tpu.memref_slice %arg6[%dma_start3A_297, %dma_start3A_298, %dma_start3A_299] : memref<3x2x128xi32, #tpu.memory_space<vmem>> -> memref<1x2x128xi32, #tpu.memory_space<vmem>>
        %dma_start3A_301 = tpu.memref_squeeze %dma_start3A_300 : memref<1x2x128xi32, #tpu.memory_space<vmem>> -> memref<2x128xi32, #tpu.memory_space<vmem>>
        %dma_start3A_302 = arith.constant 0 : i32
        %dma_start3A_303 = tpu.memref_slice %arg3[%dma_start3A_302, %mul3A_296] : memref<2x320000xi32, #tpu.memory_space<hbm>> -> memref<2x128xi32, #tpu.memory_space<hbm>>
        %dma_start3A_304 = arith.constant 0 : i32
        %dma_start3A_305 = arith.constant 0 : i32
        %dma_start3A_306 = tpu.memref_slice %arg6[%dma_start3A_297, %dma_start3A_304, %dma_start3A_305] : memref<3x2x128xi32, #tpu.memory_space<vmem>> -> memref<1x2x128xi32, #tpu.memory_space<vmem>>
        %dma_start3A_307 = tpu.memref_squeeze %dma_start3A_306 : memref<1x2x128xi32, #tpu.memory_space<vmem>> -> memref<2x128xi32, #tpu.memory_space<vmem>>
        %dma_start3A_308 = arith.constant 0 : i32
        %dma_start3A_309 = tpu.memref_slice %arg3[%dma_start3A_308, %mul3A_296] : memref<2x320000xi32, #tpu.memory_space<hbm>> -> memref<2x128xi32, #tpu.memory_space<hbm>>
        tpu.enqueue_dma source(%dma_start3A_309 : memref<2x128xi32, #tpu.memory_space<hbm>>) target(%dma_start3A_307 : memref<2x128xi32, #tpu.memory_space<vmem>>) target_semaphore(%arg11 : memref<!tpu.dma_semaphore, #tpu.memory_space<semaphore_mem>>)
      } else {
      }
      %run_scoped3A = arith.constant 0 : i32
      %run_scoped3A_120 = arith.constant 0 : i32
      %run_scoped3A_121 = arith.constant 1 : i32
      "tpu.region"() ({
        %run_scoped3A_292 = tpu.sem_alloc : memref<!tpu.dma_semaphore, #tpu.memory_space<semaphore_mem>>
        %dma_start3A_293 = arith.constant 0 : i32
        %dma_start3A_294 = arith.constant 0 : i32
        %dma_start3A_295 = tpu.memref_slice %arg7[%run_scoped3A, %dma_start3A_293, %dma_start3A_294] : memref<2x128x128xf32, #tpu.memory_space<vmem>> -> memref<1x128x128xf32, #tpu.memory_space<vmem>>
        %dma_start3A_296 = tpu.memref_squeeze %dma_start3A_295 : memref<1x128x128xf32, #tpu.memory_space<vmem>> -> memref<128x128xf32, #tpu.memory_space<vmem>>
        %dma_start3A_297 = arith.constant 0 : i32
        %dma_start3A_298 = tpu.memref_slice %arg6[%run_scoped3A_120, %run_scoped3A_121, %dma_start3A_297] : memref<3x2x128xi32, #tpu.memory_space<vmem>> -> memref<1x1x128xi32, #tpu.memory_space<vmem>>
        %dma_start3A_299 = tpu.memref_squeeze %dma_start3A_298 : memref<1x1x128xi32, #tpu.memory_space<vmem>> -> memref<128xi32, #tpu.memory_space<vmem>>
        %dma_start3A_300 = arith.constant 0 : i32
        %dma_start3A_301 = arith.constant 0 : i32
        %dma_start3A_302 = tpu.memref_slice %arg8[%dma_start3A_300, %dma_start3A_301] : memref<10000x128xf32, #tpu.memory_space<vmem_shared>> -> memref<10000x128xf32, #tpu.memory_space<vmem_shared>>
        tpu.enqueue_indirect_dma source(%dma_start3A_296 : memref<128x128xf32, #tpu.memory_space<vmem>>) target(%dma_start3A_302 : memref<10000x128xf32, #tpu.memory_space<vmem_shared>>) offsets(%dma_start3A_299 : memref<128xi32, #tpu.memory_space<vmem>>) semaphore(%run_scoped3A_292 : memref<!tpu.dma_semaphore, #tpu.memory_space<semaphore_mem>>) {add = true}
        %dma_wait3A_303 = arith.constant 0 : i32
        %dma_wait3A_304 = arith.constant 0 : i32
        %dma_wait3A_305 = tpu.memref_slice %arg7[%run_scoped3A, %dma_wait3A_303, %dma_wait3A_304] : memref<2x128x128xf32, #tpu.memory_space<vmem>> -> memref<1x128x128xf32, #tpu.memory_space<vmem>>
        %dma_wait3A_306 = tpu.memref_squeeze %dma_wait3A_305 : memref<1x128x128xf32, #tpu.memory_space<vmem>> -> memref<128x128xf32, #tpu.memory_space<vmem>>
        %dma_wait3A_307 = arith.constant 0 : i32
        %dma_wait3A_308 = tpu.memref_slice %arg6[%run_scoped3A_120, %run_scoped3A_121, %dma_wait3A_307] : memref<3x2x128xi32, #tpu.memory_space<vmem>> -> memref<1x1x128xi32, #tpu.memory_space<vmem>>
        %dma_wait3A_309 = tpu.memref_squeeze %dma_wait3A_308 : memref<1x1x128xi32, #tpu.memory_space<vmem>> -> memref<128xi32, #tpu.memory_space<vmem>>
        %dma_wait3A_310 = arith.constant 0 : i32
        %dma_wait3A_311 = arith.constant 0 : i32
        %dma_wait3A_312 = tpu.memref_slice %arg8[%dma_wait3A_310, %dma_wait3A_311] : memref<10000x128xf32, #tpu.memory_space<vmem_shared>> -> memref<10000x128xf32, #tpu.memory_space<vmem_shared>>
        tpu.wait_indirect_dma semaphore(%run_scoped3A_292 : memref<!tpu.dma_semaphore, #tpu.memory_space<semaphore_mem>>) src(%dma_wait3A_306 : memref<128x128xf32, #tpu.memory_space<vmem>>) dst(%dma_wait3A_312 : memref<10000x128xf32, #tpu.memory_space<vmem_shared>>)
        tpu.yield
      }) : () -> ()
      %mul3A_122 = arith.constant 6 : i32
      %mul3A_123 = arith.muli %scan3A_88, %mul3A_122 : i32
      %add3A_124 = arith.constant 1 : i32
      %add3A_125 = arith.addi %mul3A_123, %add3A_124 : i32
      %add3A_126 = arith.constant 1 : i32
      %add3A_127 = arith.addi %add3A_125, %add3A_126 : i32
      %lt3A_128 = arith.constant 78 : i32
      %lt3A_129 = arith.cmpi slt, %add3A_127, %lt3A_128 : i32
      %convert_element_type3A_130 = arith.extui %lt3A_129 : i1 to i32
      %cond3A_131 = arith.constant 0 : i32
      %cond3A_132 = arith.cmpi ne, %convert_element_type3A_130, %cond3A_131 : i32
      scf.if %cond3A_132 {
        %add3A_292 = arith.addi %mul3A_2, %add3A_125 : i32
        %add3A_293 = arith.constant 1 : i32
        %add3A_294 = arith.addi %add3A_292, %add3A_293 : i32
        %mul3A_295 = arith.constant 128 : i32
        %mul3A_296 = arith.muli %add3A_294, %mul3A_295 : i32
        %dma_wait3A_297 = arith.constant 2 : i32
        %dma_wait3A_298 = arith.constant 0 : i32
        %dma_wait3A_299 = arith.constant 0 : i32
        %dma_wait3A_300 = tpu.memref_slice %arg6[%dma_wait3A_297, %dma_wait3A_298, %dma_wait3A_299] : memref<3x2x128xi32, #tpu.memory_space<vmem>> -> memref<1x2x128xi32, #tpu.memory_space<vmem>>
        %dma_wait3A_301 = tpu.memref_squeeze %dma_wait3A_300 : memref<1x2x128xi32, #tpu.memory_space<vmem>> -> memref<2x128xi32, #tpu.memory_space<vmem>>
        %dma_wait3A_302 = arith.constant 0 : i32
        %dma_wait3A_303 = tpu.memref_slice %arg3[%dma_wait3A_302, %mul3A_296] : memref<2x320000xi32, #tpu.memory_space<hbm>> -> memref<2x128xi32, #tpu.memory_space<hbm>>
        %dma_wait3A_304 = arith.constant 0 : i32
        %dma_wait3A_305 = arith.constant 0 : i32
        %dma_wait3A_306 = tpu.memref_slice %arg6[%dma_wait3A_297, %dma_wait3A_304, %dma_wait3A_305] : memref<3x2x128xi32, #tpu.memory_space<vmem>> -> memref<1x2x128xi32, #tpu.memory_space<vmem>>
        %dma_wait3A_307 = tpu.memref_squeeze %dma_wait3A_306 : memref<1x2x128xi32, #tpu.memory_space<vmem>> -> memref<2x128xi32, #tpu.memory_space<vmem>>
        %dma_wait3A_308 = arith.constant 0 : i32
        %dma_wait3A_309 = tpu.memref_slice %arg3[%dma_wait3A_308, %mul3A_296] : memref<2x320000xi32, #tpu.memory_space<hbm>> -> memref<2x128xi32, #tpu.memory_space<hbm>>
        tpu.wait_dma2 semaphore(%arg11 : memref<!tpu.dma_semaphore, #tpu.memory_space<semaphore_mem>>) src(%dma_wait3A_309 : memref<2x128xi32, #tpu.memory_space<hbm>>) dst(%dma_wait3A_307 : memref<2x128xi32, #tpu.memory_space<vmem>>)
        %dma_start3A_310 = arith.constant 2 : i32
        %dma_start3A_311 = arith.constant 0 : i32
        %dma_start3A_312 = arith.constant 0 : i32
        %dma_start3A_313 = arith.constant 0 : i32
        %dma_start3A_314 = arith.constant 0 : i32
        %dma_start3A_315 = tpu.memref_slice %arg7[%dma_start3A_312, %dma_start3A_313, %dma_start3A_314] : memref<2x128x128xf32, #tpu.memory_space<vmem>> -> memref<1x128x128xf32, #tpu.memory_space<vmem>>
        %dma_start3A_316 = tpu.memref_squeeze %dma_start3A_315 : memref<1x128x128xf32, #tpu.memory_space<vmem>> -> memref<128x128xf32, #tpu.memory_space<vmem>>
        %dma_start3A_317 = arith.constant 0 : i32
        %dma_start3A_318 = tpu.memref_slice %arg6[%dma_start3A_310, %dma_start3A_311, %dma_start3A_317] : memref<3x2x128xi32, #tpu.memory_space<vmem>> -> memref<1x1x128xi32, #tpu.memory_space<vmem>>
        %dma_start3A_319 = tpu.memref_squeeze %dma_start3A_318 : memref<1x1x128xi32, #tpu.memory_space<vmem>> -> memref<128xi32, #tpu.memory_space<vmem>>
        %dma_start3A_320 = arith.constant 0 : i32
        %dma_start3A_321 = arith.constant 0 : i32
        %dma_start3A_322 = tpu.memref_slice %arg2[%dma_start3A_320, %dma_start3A_321] : memref<10000x128xf32, #tpu.memory_space<hbm>> -> memref<10000x128xf32, #tpu.memory_space<hbm>>
        tpu.enqueue_indirect_dma source(%dma_start3A_322 : memref<10000x128xf32, #tpu.memory_space<hbm>>) target(%dma_start3A_316 : memref<128x128xf32, #tpu.memory_space<vmem>>) offsets(%dma_start3A_319 : memref<128xi32, #tpu.memory_space<vmem>>) semaphore(%arg9 : memref<!tpu.dma_semaphore, #tpu.memory_space<semaphore_mem>>)
      } else {
      }
      %dma_wait3A_133 = arith.constant 1 : i32
      %dma_wait3A_134 = arith.constant 0 : i32
      %dma_wait3A_135 = arith.constant 1 : i32
      %dma_wait3A_136 = arith.constant 0 : i32
      %dma_wait3A_137 = arith.constant 0 : i32
      %dma_wait3A_138 = tpu.memref_slice %arg7[%dma_wait3A_135, %dma_wait3A_136, %dma_wait3A_137] : memref<2x128x128xf32, #tpu.memory_space<vmem>> -> memref<1x128x128xf32, #tpu.memory_space<vmem>>
      %dma_wait3A_139 = tpu.memref_squeeze %dma_wait3A_138 : memref<1x128x128xf32, #tpu.memory_space<vmem>> -> memref<128x128xf32, #tpu.memory_space<vmem>>
      %dma_wait3A_140 = arith.constant 0 : i32
      %dma_wait3A_141 = tpu.memref_slice %arg6[%dma_wait3A_133, %dma_wait3A_134, %dma_wait3A_140] : memref<3x2x128xi32, #tpu.memory_space<vmem>> -> memref<1x1x128xi32, #tpu.memory_space<vmem>>
      %dma_wait3A_142 = tpu.memref_squeeze %dma_wait3A_141 : memref<1x1x128xi32, #tpu.memory_space<vmem>> -> memref<128xi32, #tpu.memory_space<vmem>>
      %dma_wait3A_143 = arith.constant 0 : i32
      %dma_wait3A_144 = arith.constant 0 : i32
      %dma_wait3A_145 = tpu.memref_slice %arg2[%dma_wait3A_143, %dma_wait3A_144] : memref<10000x128xf32, #tpu.memory_space<hbm>> -> memref<10000x128xf32, #tpu.memory_space<hbm>>
      tpu.wait_indirect_dma semaphore(%arg10 : memref<!tpu.dma_semaphore, #tpu.memory_space<semaphore_mem>>) src(%dma_wait3A_145 : memref<10000x128xf32, #tpu.memory_space<hbm>>) dst(%dma_wait3A_139 : memref<128x128xf32, #tpu.memory_space<vmem>>)
      %add3A_146 = arith.constant 2 : i32
      %add3A_147 = arith.addi %add3A_125, %add3A_146 : i32
      %lt3A_148 = arith.constant 78 : i32
      %lt3A_149 = arith.cmpi slt, %add3A_147, %lt3A_148 : i32
      %convert_element_type3A_150 = arith.extui %lt3A_149 : i1 to i32
      %cond3A_151 = arith.constant 0 : i32
      %cond3A_152 = arith.cmpi ne, %convert_element_type3A_150, %cond3A_151 : i32
      scf.if %cond3A_152 {
        %add3A_292 = arith.addi %mul3A_2, %add3A_125 : i32
        %add3A_293 = arith.constant 2 : i32
        %add3A_294 = arith.addi %add3A_292, %add3A_293 : i32
        %mul3A_295 = arith.constant 128 : i32
        %mul3A_296 = arith.muli %add3A_294, %mul3A_295 : i32
        %dma_start3A_297 = arith.constant 0 : i32
        %dma_start3A_298 = arith.constant 0 : i32
        %dma_start3A_299 = arith.constant 0 : i32
        %dma_start3A_300 = tpu.memref_slice %arg6[%dma_start3A_297, %dma_start3A_298, %dma_start3A_299] : memref<3x2x128xi32, #tpu.memory_space<vmem>> -> memref<1x2x128xi32, #tpu.memory_space<vmem>>
        %dma_start3A_301 = tpu.memref_squeeze %dma_start3A_300 : memref<1x2x128xi32, #tpu.memory_space<vmem>> -> memref<2x128xi32, #tpu.memory_space<vmem>>
        %dma_start3A_302 = arith.constant 0 : i32
        %dma_start3A_303 = tpu.memref_slice %arg3[%dma_start3A_302, %mul3A_296] : memref<2x320000xi32, #tpu.memory_space<hbm>> -> memref<2x128xi32, #tpu.memory_space<hbm>>
        %dma_start3A_304 = arith.constant 0 : i32
        %dma_start3A_305 = arith.constant 0 : i32
        %dma_start3A_306 = tpu.memref_slice %arg6[%dma_start3A_297, %dma_start3A_304, %dma_start3A_305] : memref<3x2x128xi32, #tpu.memory_space<vmem>> -> memref<1x2x128xi32, #tpu.memory_space<vmem>>
        %dma_start3A_307 = tpu.memref_squeeze %dma_start3A_306 : memref<1x2x128xi32, #tpu.memory_space<vmem>> -> memref<2x128xi32, #tpu.memory_space<vmem>>
        %dma_start3A_308 = arith.constant 0 : i32
        %dma_start3A_309 = tpu.memref_slice %arg3[%dma_start3A_308, %mul3A_296] : memref<2x320000xi32, #tpu.memory_space<hbm>> -> memref<2x128xi32, #tpu.memory_space<hbm>>
        tpu.enqueue_dma source(%dma_start3A_309 : memref<2x128xi32, #tpu.memory_space<hbm>>) target(%dma_start3A_307 : memref<2x128xi32, #tpu.memory_space<vmem>>) target_semaphore(%arg11 : memref<!tpu.dma_semaphore, #tpu.memory_space<semaphore_mem>>)
      } else {
      }
      %run_scoped3A_153 = arith.constant 1 : i32
      %run_scoped3A_154 = arith.constant 1 : i32
      %run_scoped3A_155 = arith.constant 1 : i32
      "tpu.region"() ({
        %run_scoped3A_292 = tpu.sem_alloc : memref<!tpu.dma_semaphore, #tpu.memory_space<semaphore_mem>>
        %dma_start3A_293 = arith.constant 0 : i32
        %dma_start3A_294 = arith.constant 0 : i32
        %dma_start3A_295 = tpu.memref_slice %arg7[%run_scoped3A_153, %dma_start3A_293, %dma_start3A_294] : memref<2x128x128xf32, #tpu.memory_space<vmem>> -> memref<1x128x128xf32, #tpu.memory_space<vmem>>
        %dma_start3A_296 = tpu.memref_squeeze %dma_start3A_295 : memref<1x128x128xf32, #tpu.memory_space<vmem>> -> memref<128x128xf32, #tpu.memory_space<vmem>>
        %dma_start3A_297 = arith.constant 0 : i32
        %dma_start3A_298 = tpu.memref_slice %arg6[%run_scoped3A_154, %run_scoped3A_155, %dma_start3A_297] : memref<3x2x128xi32, #tpu.memory_space<vmem>> -> memref<1x1x128xi32, #tpu.memory_space<vmem>>
        %dma_start3A_299 = tpu.memref_squeeze %dma_start3A_298 : memref<1x1x128xi32, #tpu.memory_space<vmem>> -> memref<128xi32, #tpu.memory_space<vmem>>
        %dma_start3A_300 = arith.constant 0 : i32
        %dma_start3A_301 = arith.constant 0 : i32
        %dma_start3A_302 = tpu.memref_slice %arg8[%dma_start3A_300, %dma_start3A_301] : memref<10000x128xf32, #tpu.memory_space<vmem_shared>> -> memref<10000x128xf32, #tpu.memory_space<vmem_shared>>
        tpu.enqueue_indirect_dma source(%dma_start3A_296 : memref<128x128xf32, #tpu.memory_space<vmem>>) target(%dma_start3A_302 : memref<10000x128xf32, #tpu.memory_space<vmem_shared>>) offsets(%dma_start3A_299 : memref<128xi32, #tpu.memory_space<vmem>>) semaphore(%run_scoped3A_292 : memref<!tpu.dma_semaphore, #tpu.memory_space<semaphore_mem>>) {add = true}
        %dma_wait3A_303 = arith.constant 0 : i32
        %dma_wait3A_304 = arith.constant 0 : i32
        %dma_wait3A_305 = tpu.memref_slice %arg7[%run_scoped3A_153, %dma_wait3A_303, %dma_wait3A_304] : memref<2x128x128xf32, #tpu.memory_space<vmem>> -> memref<1x128x128xf32, #tpu.memory_space<vmem>>
        %dma_wait3A_306 = tpu.memref_squeeze %dma_wait3A_305 : memref<1x128x128xf32, #tpu.memory_space<vmem>> -> memref<128x128xf32, #tpu.memory_space<vmem>>
        %dma_wait3A_307 = arith.constant 0 : i32
        %dma_wait3A_308 = tpu.memref_slice %arg6[%run_scoped3A_154, %run_scoped3A_155, %dma_wait3A_307] : memref<3x2x128xi32, #tpu.memory_space<vmem>> -> memref<1x1x128xi32, #tpu.memory_space<vmem>>
        %dma_wait3A_309 = tpu.memref_squeeze %dma_wait3A_308 : memref<1x1x128xi32, #tpu.memory_space<vmem>> -> memref<128xi32, #tpu.memory_space<vmem>>
        %dma_wait3A_310 = arith.constant 0 : i32
        %dma_wait3A_311 = arith.constant 0 : i32
        %dma_wait3A_312 = tpu.memref_slice %arg8[%dma_wait3A_310, %dma_wait3A_311] : memref<10000x128xf32, #tpu.memory_space<vmem_shared>> -> memref<10000x128xf32, #tpu.memory_space<vmem_shared>>
        tpu.wait_indirect_dma semaphore(%run_scoped3A_292 : memref<!tpu.dma_semaphore, #tpu.memory_space<semaphore_mem>>) src(%dma_wait3A_306 : memref<128x128xf32, #tpu.memory_space<vmem>>) dst(%dma_wait3A_312 : memref<10000x128xf32, #tpu.memory_space<vmem_shared>>)
        tpu.yield
      }) : () -> ()
      %mul3A_156 = arith.constant 6 : i32
      %mul3A_157 = arith.muli %scan3A_88, %mul3A_156 : i32
      %add3A_158 = arith.constant 2 : i32
      %add3A_159 = arith.addi %mul3A_157, %add3A_158 : i32
      %add3A_160 = arith.constant 1 : i32
      %add3A_161 = arith.addi %add3A_159, %add3A_160 : i32
      %lt3A_162 = arith.constant 78 : i32
      %lt3A_163 = arith.cmpi slt, %add3A_161, %lt3A_162 : i32
      %convert_element_type3A_164 = arith.extui %lt3A_163 : i1 to i32
      %cond3A_165 = arith.constant 0 : i32
      %cond3A_166 = arith.cmpi ne, %convert_element_type3A_164, %cond3A_165 : i32
      scf.if %cond3A_166 {
        %add3A_292 = arith.addi %mul3A_2, %add3A_159 : i32
        %add3A_293 = arith.constant 1 : i32
        %add3A_294 = arith.addi %add3A_292, %add3A_293 : i32
        %mul3A_295 = arith.constant 128 : i32
        %mul3A_296 = arith.muli %add3A_294, %mul3A_295 : i32
        %dma_wait3A_297 = arith.constant 0 : i32
        %dma_wait3A_298 = arith.constant 0 : i32
        %dma_wait3A_299 = arith.constant 0 : i32
        %dma_wait3A_300 = tpu.memref_slice %arg6[%dma_wait3A_297, %dma_wait3A_298, %dma_wait3A_299] : memref<3x2x128xi32, #tpu.memory_space<vmem>> -> memref<1x2x128xi32, #tpu.memory_space<vmem>>
        %dma_wait3A_301 = tpu.memref_squeeze %dma_wait3A_300 : memref<1x2x128xi32, #tpu.memory_space<vmem>> -> memref<2x128xi32, #tpu.memory_space<vmem>>
        %dma_wait3A_302 = arith.constant 0 : i32
        %dma_wait3A_303 = tpu.memref_slice %arg3[%dma_wait3A_302, %mul3A_296] : memref<2x320000xi32, #tpu.memory_space<hbm>> -> memref<2x128xi32, #tpu.memory_space<hbm>>
        %dma_wait3A_304 = arith.constant 0 : i32
        %dma_wait3A_305 = arith.constant 0 : i32
        %dma_wait3A_306 = tpu.memref_slice %arg6[%dma_wait3A_297, %dma_wait3A_304, %dma_wait3A_305] : memref<3x2x128xi32, #tpu.memory_space<vmem>> -> memref<1x2x128xi32, #tpu.memory_space<vmem>>
        %dma_wait3A_307 = tpu.memref_squeeze %dma_wait3A_306 : memref<1x2x128xi32, #tpu.memory_space<vmem>> -> memref<2x128xi32, #tpu.memory_space<vmem>>
        %dma_wait3A_308 = arith.constant 0 : i32
        %dma_wait3A_309 = tpu.memref_slice %arg3[%dma_wait3A_308, %mul3A_296] : memref<2x320000xi32, #tpu.memory_space<hbm>> -> memref<2x128xi32, #tpu.memory_space<hbm>>
        tpu.wait_dma2 semaphore(%arg11 : memref<!tpu.dma_semaphore, #tpu.memory_space<semaphore_mem>>) src(%dma_wait3A_309 : memref<2x128xi32, #tpu.memory_space<hbm>>) dst(%dma_wait3A_307 : memref<2x128xi32, #tpu.memory_space<vmem>>)
        %dma_start3A_310 = arith.constant 0 : i32
        %dma_start3A_311 = arith.constant 0 : i32
        %dma_start3A_312 = arith.constant 1 : i32
        %dma_start3A_313 = arith.constant 0 : i32
        %dma_start3A_314 = arith.constant 0 : i32
        %dma_start3A_315 = tpu.memref_slice %arg7[%dma_start3A_312, %dma_start3A_313, %dma_start3A_314] : memref<2x128x128xf32, #tpu.memory_space<vmem>> -> memref<1x128x128xf32, #tpu.memory_space<vmem>>
        %dma_start3A_316 = tpu.memref_squeeze %dma_start3A_315 : memref<1x128x128xf32, #tpu.memory_space<vmem>> -> memref<128x128xf32, #tpu.memory_space<vmem>>
        %dma_start3A_317 = arith.constant 0 : i32
        %dma_start3A_318 = tpu.memref_slice %arg6[%dma_start3A_310, %dma_start3A_311, %dma_start3A_317] : memref<3x2x128xi32, #tpu.memory_space<vmem>> -> memref<1x1x128xi32, #tpu.memory_space<vmem>>
        %dma_start3A_319 = tpu.memref_squeeze %dma_start3A_318 : memref<1x1x128xi32, #tpu.memory_space<vmem>> -> memref<128xi32, #tpu.memory_space<vmem>>
        %dma_start3A_320 = arith.constant 0 : i32
        %dma_start3A_321 = arith.constant 0 : i32
        %dma_start3A_322 = tpu.memref_slice %arg2[%dma_start3A_320, %dma_start3A_321] : memref<10000x128xf32, #tpu.memory_space<hbm>> -> memref<10000x128xf32, #tpu.memory_space<hbm>>
        tpu.enqueue_indirect_dma source(%dma_start3A_322 : memref<10000x128xf32, #tpu.memory_space<hbm>>) target(%dma_start3A_316 : memref<128x128xf32, #tpu.memory_space<vmem>>) offsets(%dma_start3A_319 : memref<128xi32, #tpu.memory_space<vmem>>) semaphore(%arg10 : memref<!tpu.dma_semaphore, #tpu.memory_space<semaphore_mem>>)
      } else {
      }
      %dma_wait3A_167 = arith.constant 2 : i32
      %dma_wait3A_168 = arith.constant 0 : i32
      %dma_wait3A_169 = arith.constant 0 : i32
      %dma_wait3A_170 = arith.constant 0 : i32
      %dma_wait3A_171 = arith.constant 0 : i32
      %dma_wait3A_172 = tpu.memref_slice %arg7[%dma_wait3A_169, %dma_wait3A_170, %dma_wait3A_171] : memref<2x128x128xf32, #tpu.memory_space<vmem>> -> memref<1x128x128xf32, #tpu.memory_space<vmem>>
      %dma_wait3A_173 = tpu.memref_squeeze %dma_wait3A_172 : memref<1x128x128xf32, #tpu.memory_space<vmem>> -> memref<128x128xf32, #tpu.memory_space<vmem>>
      %dma_wait3A_174 = arith.constant 0 : i32
      %dma_wait3A_175 = tpu.memref_slice %arg6[%dma_wait3A_167, %dma_wait3A_168, %dma_wait3A_174] : memref<3x2x128xi32, #tpu.memory_space<vmem>> -> memref<1x1x128xi32, #tpu.memory_space<vmem>>
      %dma_wait3A_176 = tpu.memref_squeeze %dma_wait3A_175 : memref<1x1x128xi32, #tpu.memory_space<vmem>> -> memref<128xi32, #tpu.memory_space<vmem>>
      %dma_wait3A_177 = arith.constant 0 : i32
      %dma_wait3A_178 = arith.constant 0 : i32
      %dma_wait3A_179 = tpu.memref_slice %arg2[%dma_wait3A_177, %dma_wait3A_178] : memref<10000x128xf32, #tpu.memory_space<hbm>> -> memref<10000x128xf32, #tpu.memory_space<hbm>>
      tpu.wait_indirect_dma semaphore(%arg9 : memref<!tpu.dma_semaphore, #tpu.memory_space<semaphore_mem>>) src(%dma_wait3A_179 : memref<10000x128xf32, #tpu.memory_space<hbm>>) dst(%dma_wait3A_173 : memref<128x128xf32, #tpu.memory_space<vmem>>)
      %add3A_180 = arith.constant 2 : i32
      %add3A_181 = arith.addi %add3A_159, %add3A_180 : i32
      %lt3A_182 = arith.constant 78 : i32
      %lt3A_183 = arith.cmpi slt, %add3A_181, %lt3A_182 : i32
      %convert_element_type3A_184 = arith.extui %lt3A_183 : i1 to i32
      %cond3A_185 = arith.constant 0 : i32
      %cond3A_186 = arith.cmpi ne, %convert_element_type3A_184, %cond3A_185 : i32
      scf.if %cond3A_186 {
        %add3A_292 = arith.addi %mul3A_2, %add3A_159 : i32
        %add3A_293 = arith.constant 2 : i32
        %add3A_294 = arith.addi %add3A_292, %add3A_293 : i32
        %mul3A_295 = arith.constant 128 : i32
        %mul3A_296 = arith.muli %add3A_294, %mul3A_295 : i32
        %dma_start3A_297 = arith.constant 1 : i32
        %dma_start3A_298 = arith.constant 0 : i32
        %dma_start3A_299 = arith.constant 0 : i32
        %dma_start3A_300 = tpu.memref_slice %arg6[%dma_start3A_297, %dma_start3A_298, %dma_start3A_299] : memref<3x2x128xi32, #tpu.memory_space<vmem>> -> memref<1x2x128xi32, #tpu.memory_space<vmem>>
        %dma_start3A_301 = tpu.memref_squeeze %dma_start3A_300 : memref<1x2x128xi32, #tpu.memory_space<vmem>> -> memref<2x128xi32, #tpu.memory_space<vmem>>
        %dma_start3A_302 = arith.constant 0 : i32
        %dma_start3A_303 = tpu.memref_slice %arg3[%dma_start3A_302, %mul3A_296] : memref<2x320000xi32, #tpu.memory_space<hbm>> -> memref<2x128xi32, #tpu.memory_space<hbm>>
        %dma_start3A_304 = arith.constant 0 : i32
        %dma_start3A_305 = arith.constant 0 : i32
        %dma_start3A_306 = tpu.memref_slice %arg6[%dma_start3A_297, %dma_start3A_304, %dma_start3A_305] : memref<3x2x128xi32, #tpu.memory_space<vmem>> -> memref<1x2x128xi32, #tpu.memory_space<vmem>>
        %dma_start3A_307 = tpu.memref_squeeze %dma_start3A_306 : memref<1x2x128xi32, #tpu.memory_space<vmem>> -> memref<2x128xi32, #tpu.memory_space<vmem>>
        %dma_start3A_308 = arith.constant 0 : i32
        %dma_start3A_309 = tpu.memref_slice %arg3[%dma_start3A_308, %mul3A_296] : memref<2x320000xi32, #tpu.memory_space<hbm>> -> memref<2x128xi32, #tpu.memory_space<hbm>>
        tpu.enqueue_dma source(%dma_start3A_309 : memref<2x128xi32, #tpu.memory_space<hbm>>) target(%dma_start3A_307 : memref<2x128xi32, #tpu.memory_space<vmem>>) target_semaphore(%arg11 : memref<!tpu.dma_semaphore, #tpu.memory_space<semaphore_mem>>)
      } else {
      }
      %run_scoped3A_187 = arith.constant 0 : i32
      %run_scoped3A_188 = arith.constant 2 : i32
      %run_scoped3A_189 = arith.constant 1 : i32
      "tpu.region"() ({
        %run_scoped3A_292 = tpu.sem_alloc : memref<!tpu.dma_semaphore, #tpu.memory_space<semaphore_mem>>
        %dma_start3A_293 = arith.constant 0 : i32
        %dma_start3A_294 = arith.constant 0 : i32
        %dma_start3A_295 = tpu.memref_slice %arg7[%run_scoped3A_187, %dma_start3A_293, %dma_start3A_294] : memref<2x128x128xf32, #tpu.memory_space<vmem>> -> memref<1x128x128xf32, #tpu.memory_space<vmem>>
        %dma_start3A_296 = tpu.memref_squeeze %dma_start3A_295 : memref<1x128x128xf32, #tpu.memory_space<vmem>> -> memref<128x128xf32, #tpu.memory_space<vmem>>
        %dma_start3A_297 = arith.constant 0 : i32
        %dma_start3A_298 = tpu.memref_slice %arg6[%run_scoped3A_188, %run_scoped3A_189, %dma_start3A_297] : memref<3x2x128xi32, #tpu.memory_space<vmem>> -> memref<1x1x128xi32, #tpu.memory_space<vmem>>
        %dma_start3A_299 = tpu.memref_squeeze %dma_start3A_298 : memref<1x1x128xi32, #tpu.memory_space<vmem>> -> memref<128xi32, #tpu.memory_space<vmem>>
        %dma_start3A_300 = arith.constant 0 : i32
        %dma_start3A_301 = arith.constant 0 : i32
        %dma_start3A_302 = tpu.memref_slice %arg8[%dma_start3A_300, %dma_start3A_301] : memref<10000x128xf32, #tpu.memory_space<vmem_shared>> -> memref<10000x128xf32, #tpu.memory_space<vmem_shared>>
        tpu.enqueue_indirect_dma source(%dma_start3A_296 : memref<128x128xf32, #tpu.memory_space<vmem>>) target(%dma_start3A_302 : memref<10000x128xf32, #tpu.memory_space<vmem_shared>>) offsets(%dma_start3A_299 : memref<128xi32, #tpu.memory_space<vmem>>) semaphore(%run_scoped3A_292 : memref<!tpu.dma_semaphore, #tpu.memory_space<semaphore_mem>>) {add = true}
        %dma_wait3A_303 = arith.constant 0 : i32
        %dma_wait3A_304 = arith.constant 0 : i32
        %dma_wait3A_305 = tpu.memref_slice %arg7[%run_scoped3A_187, %dma_wait3A_303, %dma_wait3A_304] : memref<2x128x128xf32, #tpu.memory_space<vmem>> -> memref<1x128x128xf32, #tpu.memory_space<vmem>>
        %dma_wait3A_306 = tpu.memref_squeeze %dma_wait3A_305 : memref<1x128x128xf32, #tpu.memory_space<vmem>> -> memref<128x128xf32, #tpu.memory_space<vmem>>
        %dma_wait3A_307 = arith.constant 0 : i32
        %dma_wait3A_308 = tpu.memref_slice %arg6[%run_scoped3A_188, %run_scoped3A_189, %dma_wait3A_307] : memref<3x2x128xi32, #tpu.memory_space<vmem>> -> memref<1x1x128xi32, #tpu.memory_space<vmem>>
        %dma_wait3A_309 = tpu.memref_squeeze %dma_wait3A_308 : memref<1x1x128xi32, #tpu.memory_space<vmem>> -> memref<128xi32, #tpu.memory_space<vmem>>
        %dma_wait3A_310 = arith.constant 0 : i32
        %dma_wait3A_311 = arith.constant 0 : i32
        %dma_wait3A_312 = tpu.memref_slice %arg8[%dma_wait3A_310, %dma_wait3A_311] : memref<10000x128xf32, #tpu.memory_space<vmem_shared>> -> memref<10000x128xf32, #tpu.memory_space<vmem_shared>>
        tpu.wait_indirect_dma semaphore(%run_scoped3A_292 : memref<!tpu.dma_semaphore, #tpu.memory_space<semaphore_mem>>) src(%dma_wait3A_306 : memref<128x128xf32, #tpu.memory_space<vmem>>) dst(%dma_wait3A_312 : memref<10000x128xf32, #tpu.memory_space<vmem_shared>>)
        tpu.yield
      }) : () -> ()
      %mul3A_190 = arith.constant 6 : i32
      %mul3A_191 = arith.muli %scan3A_88, %mul3A_190 : i32
      %add3A_192 = arith.constant 3 : i32
      %add3A_193 = arith.addi %mul3A_191, %add3A_192 : i32
      %add3A_194 = arith.constant 1 : i32
      %add3A_195 = arith.addi %add3A_193, %add3A_194 : i32
      %lt3A_196 = arith.constant 78 : i32
      %lt3A_197 = arith.cmpi slt, %add3A_195, %lt3A_196 : i32
      %convert_element_type3A_198 = arith.extui %lt3A_197 : i1 to i32
      %cond3A_199 = arith.constant 0 : i32
      %cond3A_200 = arith.cmpi ne, %convert_element_type3A_198, %cond3A_199 : i32
      scf.if %cond3A_200 {
        %add3A_292 = arith.addi %mul3A_2, %add3A_193 : i32
        %add3A_293 = arith.constant 1 : i32
        %add3A_294 = arith.addi %add3A_292, %add3A_293 : i32
        %mul3A_295 = arith.constant 128 : i32
        %mul3A_296 = arith.muli %add3A_294, %mul3A_295 : i32
        %dma_wait3A_297 = arith.constant 1 : i32
        %dma_wait3A_298 = arith.constant 0 : i32
        %dma_wait3A_299 = arith.constant 0 : i32
        %dma_wait3A_300 = tpu.memref_slice %arg6[%dma_wait3A_297, %dma_wait3A_298, %dma_wait3A_299] : memref<3x2x128xi32, #tpu.memory_space<vmem>> -> memref<1x2x128xi32, #tpu.memory_space<vmem>>
        %dma_wait3A_301 = tpu.memref_squeeze %dma_wait3A_300 : memref<1x2x128xi32, #tpu.memory_space<vmem>> -> memref<2x128xi32, #tpu.memory_space<vmem>>
        %dma_wait3A_302 = arith.constant 0 : i32
        %dma_wait3A_303 = tpu.memref_slice %arg3[%dma_wait3A_302, %mul3A_296] : memref<2x320000xi32, #tpu.memory_space<hbm>> -> memref<2x128xi32, #tpu.memory_space<hbm>>
        %dma_wait3A_304 = arith.constant 0 : i32
        %dma_wait3A_305 = arith.constant 0 : i32
        %dma_wait3A_306 = tpu.memref_slice %arg6[%dma_wait3A_297, %dma_wait3A_304, %dma_wait3A_305] : memref<3x2x128xi32, #tpu.memory_space<vmem>> -> memref<1x2x128xi32, #tpu.memory_space<vmem>>
        %dma_wait3A_307 = tpu.memref_squeeze %dma_wait3A_306 : memref<1x2x128xi32, #tpu.memory_space<vmem>> -> memref<2x128xi32, #tpu.memory_space<vmem>>
        %dma_wait3A_308 = arith.constant 0 : i32
        %dma_wait3A_309 = tpu.memref_slice %arg3[%dma_wait3A_308, %mul3A_296] : memref<2x320000xi32, #tpu.memory_space<hbm>> -> memref<2x128xi32, #tpu.memory_space<hbm>>
        tpu.wait_dma2 semaphore(%arg11 : memref<!tpu.dma_semaphore, #tpu.memory_space<semaphore_mem>>) src(%dma_wait3A_309 : memref<2x128xi32, #tpu.memory_space<hbm>>) dst(%dma_wait3A_307 : memref<2x128xi32, #tpu.memory_space<vmem>>)
        %dma_start3A_310 = arith.constant 1 : i32
        %dma_start3A_311 = arith.constant 0 : i32
        %dma_start3A_312 = arith.constant 0 : i32
        %dma_start3A_313 = arith.constant 0 : i32
        %dma_start3A_314 = arith.constant 0 : i32
        %dma_start3A_315 = tpu.memref_slice %arg7[%dma_start3A_312, %dma_start3A_313, %dma_start3A_314] : memref<2x128x128xf32, #tpu.memory_space<vmem>> -> memref<1x128x128xf32, #tpu.memory_space<vmem>>
        %dma_start3A_316 = tpu.memref_squeeze %dma_start3A_315 : memref<1x128x128xf32, #tpu.memory_space<vmem>> -> memref<128x128xf32, #tpu.memory_space<vmem>>
        %dma_start3A_317 = arith.constant 0 : i32
        %dma_start3A_318 = tpu.memref_slice %arg6[%dma_start3A_310, %dma_start3A_311, %dma_start3A_317] : memref<3x2x128xi32, #tpu.memory_space<vmem>> -> memref<1x1x128xi32, #tpu.memory_space<vmem>>
        %dma_start3A_319 = tpu.memref_squeeze %dma_start3A_318 : memref<1x1x128xi32, #tpu.memory_space<vmem>> -> memref<128xi32, #tpu.memory_space<vmem>>
        %dma_start3A_320 = arith.constant 0 : i32
        %dma_start3A_321 = arith.constant 0 : i32
        %dma_start3A_322 = tpu.memref_slice %arg2[%dma_start3A_320, %dma_start3A_321] : memref<10000x128xf32, #tpu.memory_space<hbm>> -> memref<10000x128xf32, #tpu.memory_space<hbm>>
        tpu.enqueue_indirect_dma source(%dma_start3A_322 : memref<10000x128xf32, #tpu.memory_space<hbm>>) target(%dma_start3A_316 : memref<128x128xf32, #tpu.memory_space<vmem>>) offsets(%dma_start3A_319 : memref<128xi32, #tpu.memory_space<vmem>>) semaphore(%arg9 : memref<!tpu.dma_semaphore, #tpu.memory_space<semaphore_mem>>)
      } else {
      }
      %dma_wait3A_201 = arith.constant 0 : i32
      %dma_wait3A_202 = arith.constant 0 : i32
      %dma_wait3A_203 = arith.constant 1 : i32
      %dma_wait3A_204 = arith.constant 0 : i32
      %dma_wait3A_205 = arith.constant 0 : i32
      %dma_wait3A_206 = tpu.memref_slice %arg7[%dma_wait3A_203, %dma_wait3A_204, %dma_wait3A_205] : memref<2x128x128xf32, #tpu.memory_space<vmem>> -> memref<1x128x128xf32, #tpu.memory_space<vmem>>
      %dma_wait3A_207 = tpu.memref_squeeze %dma_wait3A_206 : memref<1x128x128xf32, #tpu.memory_space<vmem>> -> memref<128x128xf32, #tpu.memory_space<vmem>>
      %dma_wait3A_208 = arith.constant 0 : i32
      %dma_wait3A_209 = tpu.memref_slice %arg6[%dma_wait3A_201, %dma_wait3A_202, %dma_wait3A_208] : memref<3x2x128xi32, #tpu.memory_space<vmem>> -> memref<1x1x128xi32, #tpu.memory_space<vmem>>
      %dma_wait3A_210 = tpu.memref_squeeze %dma_wait3A_209 : memref<1x1x128xi32, #tpu.memory_space<vmem>> -> memref<128xi32, #tpu.memory_space<vmem>>
      %dma_wait3A_211 = arith.constant 0 : i32
      %dma_wait3A_212 = arith.constant 0 : i32
      %dma_wait3A_213 = tpu.memref_slice %arg2[%dma_wait3A_211, %dma_wait3A_212] : memref<10000x128xf32, #tpu.memory_space<hbm>> -> memref<10000x128xf32, #tpu.memory_space<hbm>>
      tpu.wait_indirect_dma semaphore(%arg10 : memref<!tpu.dma_semaphore, #tpu.memory_space<semaphore_mem>>) src(%dma_wait3A_213 : memref<10000x128xf32, #tpu.memory_space<hbm>>) dst(%dma_wait3A_207 : memref<128x128xf32, #tpu.memory_space<vmem>>)
      %add3A_214 = arith.constant 2 : i32
      %add3A_215 = arith.addi %add3A_193, %add3A_214 : i32
      %lt3A_216 = arith.constant 78 : i32
      %lt3A_217 = arith.cmpi slt, %add3A_215, %lt3A_216 : i32
      %convert_element_type3A_218 = arith.extui %lt3A_217 : i1 to i32
      %cond3A_219 = arith.constant 0 : i32
      %cond3A_220 = arith.cmpi ne, %convert_element_type3A_218, %cond3A_219 : i32
      scf.if %cond3A_220 {
        %add3A_292 = arith.addi %mul3A_2, %add3A_193 : i32
        %add3A_293 = arith.constant 2 : i32
        %add3A_294 = arith.addi %add3A_292, %add3A_293 : i32
        %mul3A_295 = arith.constant 128 : i32
        %mul3A_296 = arith.muli %add3A_294, %mul3A_295 : i32
        %dma_start3A_297 = arith.constant 2 : i32
        %dma_start3A_298 = arith.constant 0 : i32
        %dma_start3A_299 = arith.constant 0 : i32
        %dma_start3A_300 = tpu.memref_slice %arg6[%dma_start3A_297, %dma_start3A_298, %dma_start3A_299] : memref<3x2x128xi32, #tpu.memory_space<vmem>> -> memref<1x2x128xi32, #tpu.memory_space<vmem>>
        %dma_start3A_301 = tpu.memref_squeeze %dma_start3A_300 : memref<1x2x128xi32, #tpu.memory_space<vmem>> -> memref<2x128xi32, #tpu.memory_space<vmem>>
        %dma_start3A_302 = arith.constant 0 : i32
        %dma_start3A_303 = tpu.memref_slice %arg3[%dma_start3A_302, %mul3A_296] : memref<2x320000xi32, #tpu.memory_space<hbm>> -> memref<2x128xi32, #tpu.memory_space<hbm>>
        %dma_start3A_304 = arith.constant 0 : i32
        %dma_start3A_305 = arith.constant 0 : i32
        %dma_start3A_306 = tpu.memref_slice %arg6[%dma_start3A_297, %dma_start3A_304, %dma_start3A_305] : memref<3x2x128xi32, #tpu.memory_space<vmem>> -> memref<1x2x128xi32, #tpu.memory_space<vmem>>
        %dma_start3A_307 = tpu.memref_squeeze %dma_start3A_306 : memref<1x2x128xi32, #tpu.memory_space<vmem>> -> memref<2x128xi32, #tpu.memory_space<vmem>>
        %dma_start3A_308 = arith.constant 0 : i32
        %dma_start3A_309 = tpu.memref_slice %arg3[%dma_start3A_308, %mul3A_296] : memref<2x320000xi32, #tpu.memory_space<hbm>> -> memref<2x128xi32, #tpu.memory_space<hbm>>
        tpu.enqueue_dma source(%dma_start3A_309 : memref<2x128xi32, #tpu.memory_space<hbm>>) target(%dma_start3A_307 : memref<2x128xi32, #tpu.memory_space<vmem>>) target_semaphore(%arg11 : memref<!tpu.dma_semaphore, #tpu.memory_space<semaphore_mem>>)
      } else {
      }
      %run_scoped3A_221 = arith.constant 1 : i32
      %run_scoped3A_222 = arith.constant 0 : i32
      %run_scoped3A_223 = arith.constant 1 : i32
      "tpu.region"() ({
        %run_scoped3A_292 = tpu.sem_alloc : memref<!tpu.dma_semaphore, #tpu.memory_space<semaphore_mem>>
        %dma_start3A_293 = arith.constant 0 : i32
        %dma_start3A_294 = arith.constant 0 : i32
        %dma_start3A_295 = tpu.memref_slice %arg7[%run_scoped3A_221, %dma_start3A_293, %dma_start3A_294] : memref<2x128x128xf32, #tpu.memory_space<vmem>> -> memref<1x128x128xf32, #tpu.memory_space<vmem>>
        %dma_start3A_296 = tpu.memref_squeeze %dma_start3A_295 : memref<1x128x128xf32, #tpu.memory_space<vmem>> -> memref<128x128xf32, #tpu.memory_space<vmem>>
        %dma_start3A_297 = arith.constant 0 : i32
        %dma_start3A_298 = tpu.memref_slice %arg6[%run_scoped3A_222, %run_scoped3A_223, %dma_start3A_297] : memref<3x2x128xi32, #tpu.memory_space<vmem>> -> memref<1x1x128xi32, #tpu.memory_space<vmem>>
        %dma_start3A_299 = tpu.memref_squeeze %dma_start3A_298 : memref<1x1x128xi32, #tpu.memory_space<vmem>> -> memref<128xi32, #tpu.memory_space<vmem>>
        %dma_start3A_300 = arith.constant 0 : i32
        %dma_start3A_301 = arith.constant 0 : i32
        %dma_start3A_302 = tpu.memref_slice %arg8[%dma_start3A_300, %dma_start3A_301] : memref<10000x128xf32, #tpu.memory_space<vmem_shared>> -> memref<10000x128xf32, #tpu.memory_space<vmem_shared>>
        tpu.enqueue_indirect_dma source(%dma_start3A_296 : memref<128x128xf32, #tpu.memory_space<vmem>>) target(%dma_start3A_302 : memref<10000x128xf32, #tpu.memory_space<vmem_shared>>) offsets(%dma_start3A_299 : memref<128xi32, #tpu.memory_space<vmem>>) semaphore(%run_scoped3A_292 : memref<!tpu.dma_semaphore, #tpu.memory_space<semaphore_mem>>) {add = true}
        %dma_wait3A_303 = arith.constant 0 : i32
        %dma_wait3A_304 = arith.constant 0 : i32
        %dma_wait3A_305 = tpu.memref_slice %arg7[%run_scoped3A_221, %dma_wait3A_303, %dma_wait3A_304] : memref<2x128x128xf32, #tpu.memory_space<vmem>> -> memref<1x128x128xf32, #tpu.memory_space<vmem>>
        %dma_wait3A_306 = tpu.memref_squeeze %dma_wait3A_305 : memref<1x128x128xf32, #tpu.memory_space<vmem>> -> memref<128x128xf32, #tpu.memory_space<vmem>>
        %dma_wait3A_307 = arith.constant 0 : i32
        %dma_wait3A_308 = tpu.memref_slice %arg6[%run_scoped3A_222, %run_scoped3A_223, %dma_wait3A_307] : memref<3x2x128xi32, #tpu.memory_space<vmem>> -> memref<1x1x128xi32, #tpu.memory_space<vmem>>
        %dma_wait3A_309 = tpu.memref_squeeze %dma_wait3A_308 : memref<1x1x128xi32, #tpu.memory_space<vmem>> -> memref<128xi32, #tpu.memory_space<vmem>>
        %dma_wait3A_310 = arith.constant 0 : i32
        %dma_wait3A_311 = arith.constant 0 : i32
        %dma_wait3A_312 = tpu.memref_slice %arg8[%dma_wait3A_310, %dma_wait3A_311] : memref<10000x128xf32, #tpu.memory_space<vmem_shared>> -> memref<10000x128xf32, #tpu.memory_space<vmem_shared>>
        tpu.wait_indirect_dma semaphore(%run_scoped3A_292 : memref<!tpu.dma_semaphore, #tpu.memory_space<semaphore_mem>>) src(%dma_wait3A_306 : memref<128x128xf32, #tpu.memory_space<vmem>>) dst(%dma_wait3A_312 : memref<10000x128xf32, #tpu.memory_space<vmem_shared>>)
        tpu.yield
      }) : () -> ()
      %mul3A_224 = arith.constant 6 : i32
      %mul3A_225 = arith.muli %scan3A_88, %mul3A_224 : i32
      %add3A_226 = arith.constant 4 : i32
      %add3A_227 = arith.addi %mul3A_225, %add3A_226 : i32
      %add3A_228 = arith.constant 1 : i32
      %add3A_229 = arith.addi %add3A_227, %add3A_228 : i32
      %lt3A_230 = arith.constant 78 : i32
      %lt3A_231 = arith.cmpi slt, %add3A_229, %lt3A_230 : i32
      %convert_element_type3A_232 = arith.extui %lt3A_231 : i1 to i32
      %cond3A_233 = arith.constant 0 : i32
      %cond3A_234 = arith.cmpi ne, %convert_element_type3A_232, %cond3A_233 : i32
      scf.if %cond3A_234 {
        %add3A_292 = arith.addi %mul3A_2, %add3A_227 : i32
        %add3A_293 = arith.constant 1 : i32
        %add3A_294 = arith.addi %add3A_292, %add3A_293 : i32
        %mul3A_295 = arith.constant 128 : i32
        %mul3A_296 = arith.muli %add3A_294, %mul3A_295 : i32
        %dma_wait3A_297 = arith.constant 2 : i32
        %dma_wait3A_298 = arith.constant 0 : i32
        %dma_wait3A_299 = arith.constant 0 : i32
        %dma_wait3A_300 = tpu.memref_slice %arg6[%dma_wait3A_297, %dma_wait3A_298, %dma_wait3A_299] : memref<3x2x128xi32, #tpu.memory_space<vmem>> -> memref<1x2x128xi32, #tpu.memory_space<vmem>>
        %dma_wait3A_301 = tpu.memref_squeeze %dma_wait3A_300 : memref<1x2x128xi32, #tpu.memory_space<vmem>> -> memref<2x128xi32, #tpu.memory_space<vmem>>
        %dma_wait3A_302 = arith.constant 0 : i32
        %dma_wait3A_303 = tpu.memref_slice %arg3[%dma_wait3A_302, %mul3A_296] : memref<2x320000xi32, #tpu.memory_space<hbm>> -> memref<2x128xi32, #tpu.memory_space<hbm>>
        %dma_wait3A_304 = arith.constant 0 : i32
        %dma_wait3A_305 = arith.constant 0 : i32
        %dma_wait3A_306 = tpu.memref_slice %arg6[%dma_wait3A_297, %dma_wait3A_304, %dma_wait3A_305] : memref<3x2x128xi32, #tpu.memory_space<vmem>> -> memref<1x2x128xi32, #tpu.memory_space<vmem>>
        %dma_wait3A_307 = tpu.memref_squeeze %dma_wait3A_306 : memref<1x2x128xi32, #tpu.memory_space<vmem>> -> memref<2x128xi32, #tpu.memory_space<vmem>>
        %dma_wait3A_308 = arith.constant 0 : i32
        %dma_wait3A_309 = tpu.memref_slice %arg3[%dma_wait3A_308, %mul3A_296] : memref<2x320000xi32, #tpu.memory_space<hbm>> -> memref<2x128xi32, #tpu.memory_space<hbm>>
        tpu.wait_dma2 semaphore(%arg11 : memref<!tpu.dma_semaphore, #tpu.memory_space<semaphore_mem>>) src(%dma_wait3A_309 : memref<2x128xi32, #tpu.memory_space<hbm>>) dst(%dma_wait3A_307 : memref<2x128xi32, #tpu.memory_space<vmem>>)
        %dma_start3A_310 = arith.constant 2 : i32
        %dma_start3A_311 = arith.constant 0 : i32
        %dma_start3A_312 = arith.constant 1 : i32
        %dma_start3A_313 = arith.constant 0 : i32
        %dma_start3A_314 = arith.constant 0 : i32
        %dma_start3A_315 = tpu.memref_slice %arg7[%dma_start3A_312, %dma_start3A_313, %dma_start3A_314] : memref<2x128x128xf32, #tpu.memory_space<vmem>> -> memref<1x128x128xf32, #tpu.memory_space<vmem>>
        %dma_start3A_316 = tpu.memref_squeeze %dma_start3A_315 : memref<1x128x128xf32, #tpu.memory_space<vmem>> -> memref<128x128xf32, #tpu.memory_space<vmem>>
        %dma_start3A_317 = arith.constant 0 : i32
        %dma_start3A_318 = tpu.memref_slice %arg6[%dma_start3A_310, %dma_start3A_311, %dma_start3A_317] : memref<3x2x128xi32, #tpu.memory_space<vmem>> -> memref<1x1x128xi32, #tpu.memory_space<vmem>>
        %dma_start3A_319 = tpu.memref_squeeze %dma_start3A_318 : memref<1x1x128xi32, #tpu.memory_space<vmem>> -> memref<128xi32, #tpu.memory_space<vmem>>
        %dma_start3A_320 = arith.constant 0 : i32
        %dma_start3A_321 = arith.constant 0 : i32
        %dma_start3A_322 = tpu.memref_slice %arg2[%dma_start3A_320, %dma_start3A_321] : memref<10000x128xf32, #tpu.memory_space<hbm>> -> memref<10000x128xf32, #tpu.memory_space<hbm>>
        tpu.enqueue_indirect_dma source(%dma_start3A_322 : memref<10000x128xf32, #tpu.memory_space<hbm>>) target(%dma_start3A_316 : memref<128x128xf32, #tpu.memory_space<vmem>>) offsets(%dma_start3A_319 : memref<128xi32, #tpu.memory_space<vmem>>) semaphore(%arg10 : memref<!tpu.dma_semaphore, #tpu.memory_space<semaphore_mem>>)
      } else {
      }
      %dma_wait3A_235 = arith.constant 1 : i32
      %dma_wait3A_236 = arith.constant 0 : i32
      %dma_wait3A_237 = arith.constant 0 : i32
      %dma_wait3A_238 = arith.constant 0 : i32
      %dma_wait3A_239 = arith.constant 0 : i32
      %dma_wait3A_240 = tpu.memref_slice %arg7[%dma_wait3A_237, %dma_wait3A_238, %dma_wait3A_239] : memref<2x128x128xf32, #tpu.memory_space<vmem>> -> memref<1x128x128xf32, #tpu.memory_space<vmem>>
      %dma_wait3A_241 = tpu.memref_squeeze %dma_wait3A_240 : memref<1x128x128xf32, #tpu.memory_space<vmem>> -> memref<128x128xf32, #tpu.memory_space<vmem>>
      %dma_wait3A_242 = arith.constant 0 : i32
      %dma_wait3A_243 = tpu.memref_slice %arg6[%dma_wait3A_235, %dma_wait3A_236, %dma_wait3A_242] : memref<3x2x128xi32, #tpu.memory_space<vmem>> -> memref<1x1x128xi32, #tpu.memory_space<vmem>>
      %dma_wait3A_244 = tpu.memref_squeeze %dma_wait3A_243 : memref<1x1x128xi32, #tpu.memory_space<vmem>> -> memref<128xi32, #tpu.memory_space<vmem>>
      %dma_wait3A_245 = arith.constant 0 : i32
      %dma_wait3A_246 = arith.constant 0 : i32
      %dma_wait3A_247 = tpu.memref_slice %arg2[%dma_wait3A_245, %dma_wait3A_246] : memref<10000x128xf32, #tpu.memory_space<hbm>> -> memref<10000x128xf32, #tpu.memory_space<hbm>>
      tpu.wait_indirect_dma semaphore(%arg9 : memref<!tpu.dma_semaphore, #tpu.memory_space<semaphore_mem>>) src(%dma_wait3A_247 : memref<10000x128xf32, #tpu.memory_space<hbm>>) dst(%dma_wait3A_241 : memref<128x128xf32, #tpu.memory_space<vmem>>)
      %add3A_248 = arith.constant 2 : i32
      %add3A_249 = arith.addi %add3A_227, %add3A_248 : i32
      %lt3A_250 = arith.constant 78 : i32
      %lt3A_251 = arith.cmpi slt, %add3A_249, %lt3A_250 : i32
      %convert_element_type3A_252 = arith.extui %lt3A_251 : i1 to i32
      %cond3A_253 = arith.constant 0 : i32
      %cond3A_254 = arith.cmpi ne, %convert_element_type3A_252, %cond3A_253 : i32
      scf.if %cond3A_254 {
        %add3A_292 = arith.addi %mul3A_2, %add3A_227 : i32
        %add3A_293 = arith.constant 2 : i32
        %add3A_294 = arith.addi %add3A_292, %add3A_293 : i32
        %mul3A_295 = arith.constant 128 : i32
        %mul3A_296 = arith.muli %add3A_294, %mul3A_295 : i32
        %dma_start3A_297 = arith.constant 0 : i32
        %dma_start3A_298 = arith.constant 0 : i32
        %dma_start3A_299 = arith.constant 0 : i32
        %dma_start3A_300 = tpu.memref_slice %arg6[%dma_start3A_297, %dma_start3A_298, %dma_start3A_299] : memref<3x2x128xi32, #tpu.memory_space<vmem>> -> memref<1x2x128xi32, #tpu.memory_space<vmem>>
        %dma_start3A_301 = tpu.memref_squeeze %dma_start3A_300 : memref<1x2x128xi32, #tpu.memory_space<vmem>> -> memref<2x128xi32, #tpu.memory_space<vmem>>
        %dma_start3A_302 = arith.constant 0 : i32
        %dma_start3A_303 = tpu.memref_slice %arg3[%dma_start3A_302, %mul3A_296] : memref<2x320000xi32, #tpu.memory_space<hbm>> -> memref<2x128xi32, #tpu.memory_space<hbm>>
        %dma_start3A_304 = arith.constant 0 : i32
        %dma_start3A_305 = arith.constant 0 : i32
        %dma_start3A_306 = tpu.memref_slice %arg6[%dma_start3A_297, %dma_start3A_304, %dma_start3A_305] : memref<3x2x128xi32, #tpu.memory_space<vmem>> -> memref<1x2x128xi32, #tpu.memory_space<vmem>>
        %dma_start3A_307 = tpu.memref_squeeze %dma_start3A_306 : memref<1x2x128xi32, #tpu.memory_space<vmem>> -> memref<2x128xi32, #tpu.memory_space<vmem>>
        %dma_start3A_308 = arith.constant 0 : i32
        %dma_start3A_309 = tpu.memref_slice %arg3[%dma_start3A_308, %mul3A_296] : memref<2x320000xi32, #tpu.memory_space<hbm>> -> memref<2x128xi32, #tpu.memory_space<hbm>>
        tpu.enqueue_dma source(%dma_start3A_309 : memref<2x128xi32, #tpu.memory_space<hbm>>) target(%dma_start3A_307 : memref<2x128xi32, #tpu.memory_space<vmem>>) target_semaphore(%arg11 : memref<!tpu.dma_semaphore, #tpu.memory_space<semaphore_mem>>)
      } else {
      }
      %run_scoped3A_255 = arith.constant 0 : i32
      %run_scoped3A_256 = arith.constant 1 : i32
      %run_scoped3A_257 = arith.constant 1 : i32
      "tpu.region"() ({
        %run_scoped3A_292 = tpu.sem_alloc : memref<!tpu.dma_semaphore, #tpu.memory_space<semaphore_mem>>
        %dma_start3A_293 = arith.constant 0 : i32
        %dma_start3A_294 = arith.constant 0 : i32
        %dma_start3A_295 = tpu.memref_slice %arg7[%run_scoped3A_255, %dma_start3A_293, %dma_start3A_294] : memref<2x128x128xf32, #tpu.memory_space<vmem>> -> memref<1x128x128xf32, #tpu.memory_space<vmem>>
        %dma_start3A_296 = tpu.memref_squeeze %dma_start3A_295 : memref<1x128x128xf32, #tpu.memory_space<vmem>> -> memref<128x128xf32, #tpu.memory_space<vmem>>
        %dma_start3A_297 = arith.constant 0 : i32
        %dma_start3A_298 = tpu.memref_slice %arg6[%run_scoped3A_256, %run_scoped3A_257, %dma_start3A_297] : memref<3x2x128xi32, #tpu.memory_space<vmem>> -> memref<1x1x128xi32, #tpu.memory_space<vmem>>
        %dma_start3A_299 = tpu.memref_squeeze %dma_start3A_298 : memref<1x1x128xi32, #tpu.memory_space<vmem>> -> memref<128xi32, #tpu.memory_space<vmem>>
        %dma_start3A_300 = arith.constant 0 : i32
        %dma_start3A_301 = arith.constant 0 : i32
        %dma_start3A_302 = tpu.memref_slice %arg8[%dma_start3A_300, %dma_start3A_301] : memref<10000x128xf32, #tpu.memory_space<vmem_shared>> -> memref<10000x128xf32, #tpu.memory_space<vmem_shared>>
        tpu.enqueue_indirect_dma source(%dma_start3A_296 : memref<128x128xf32, #tpu.memory_space<vmem>>) target(%dma_start3A_302 : memref<10000x128xf32, #tpu.memory_space<vmem_shared>>) offsets(%dma_start3A_299 : memref<128xi32, #tpu.memory_space<vmem>>) semaphore(%run_scoped3A_292 : memref<!tpu.dma_semaphore, #tpu.memory_space<semaphore_mem>>) {add = true}
        %dma_wait3A_303 = arith.constant 0 : i32
        %dma_wait3A_304 = arith.constant 0 : i32
        %dma_wait3A_305 = tpu.memref_slice %arg7[%run_scoped3A_255, %dma_wait3A_303, %dma_wait3A_304] : memref<2x128x128xf32, #tpu.memory_space<vmem>> -> memref<1x128x128xf32, #tpu.memory_space<vmem>>
        %dma_wait3A_306 = tpu.memref_squeeze %dma_wait3A_305 : memref<1x128x128xf32, #tpu.memory_space<vmem>> -> memref<128x128xf32, #tpu.memory_space<vmem>>
        %dma_wait3A_307 = arith.constant 0 : i32
        %dma_wait3A_308 = tpu.memref_slice %arg6[%run_scoped3A_256, %run_scoped3A_257, %dma_wait3A_307] : memref<3x2x128xi32, #tpu.memory_space<vmem>> -> memref<1x1x128xi32, #tpu.memory_space<vmem>>
        %dma_wait3A_309 = tpu.memref_squeeze %dma_wait3A_308 : memref<1x1x128xi32, #tpu.memory_space<vmem>> -> memref<128xi32, #tpu.memory_space<vmem>>
        %dma_wait3A_310 = arith.constant 0 : i32
        %dma_wait3A_311 = arith.constant 0 : i32
        %dma_wait3A_312 = tpu.memref_slice %arg8[%dma_wait3A_310, %dma_wait3A_311] : memref<10000x128xf32, #tpu.memory_space<vmem_shared>> -> memref<10000x128xf32, #tpu.memory_space<vmem_shared>>
        tpu.wait_indirect_dma semaphore(%run_scoped3A_292 : memref<!tpu.dma_semaphore, #tpu.memory_space<semaphore_mem>>) src(%dma_wait3A_306 : memref<128x128xf32, #tpu.memory_space<vmem>>) dst(%dma_wait3A_312 : memref<10000x128xf32, #tpu.memory_space<vmem_shared>>)
        tpu.yield
      }) : () -> ()
      %mul3A_258 = arith.constant 6 : i32
      %mul3A_259 = arith.muli %scan3A_88, %mul3A_258 : i32
      %add3A_260 = arith.constant 5 : i32
      %add3A_261 = arith.addi %mul3A_259, %add3A_260 : i32
      %add3A_262 = arith.constant 1 : i32
      %add3A_263 = arith.addi %add3A_261, %add3A_262 : i32
      %lt3A_264 = arith.constant 78 : i32
      %lt3A_265 = arith.cmpi slt, %add3A_263, %lt3A_264 : i32
      %convert_element_type3A_266 = arith.extui %lt3A_265 : i1 to i32
      %cond3A_267 = arith.constant 0 : i32
      %cond3A_268 = arith.cmpi ne, %convert_element_type3A_266, %cond3A_267 : i32
      scf.if %cond3A_268 {
        %add3A_292 = arith.addi %mul3A_2, %add3A_261 : i32
        %add3A_293 = arith.constant 1 : i32
        %add3A_294 = arith.addi %add3A_292, %add3A_293 : i32
        %mul3A_295 = arith.constant 128 : i32
        %mul3A_296 = arith.muli %add3A_294, %mul3A_295 : i32
        %dma_wait3A_297 = arith.constant 0 : i32
        %dma_wait3A_298 = arith.constant 0 : i32
        %dma_wait3A_299 = arith.constant 0 : i32
        %dma_wait3A_300 = tpu.memref_slice %arg6[%dma_wait3A_297, %dma_wait3A_298, %dma_wait3A_299] : memref<3x2x128xi32, #tpu.memory_space<vmem>> -> memref<1x2x128xi32, #tpu.memory_space<vmem>>
        %dma_wait3A_301 = tpu.memref_squeeze %dma_wait3A_300 : memref<1x2x128xi32, #tpu.memory_space<vmem>> -> memref<2x128xi32, #tpu.memory_space<vmem>>
        %dma_wait3A_302 = arith.constant 0 : i32
        %dma_wait3A_303 = tpu.memref_slice %arg3[%dma_wait3A_302, %mul3A_296] : memref<2x320000xi32, #tpu.memory_space<hbm>> -> memref<2x128xi32, #tpu.memory_space<hbm>>
        %dma_wait3A_304 = arith.constant 0 : i32
        %dma_wait3A_305 = arith.constant 0 : i32
        %dma_wait3A_306 = tpu.memref_slice %arg6[%dma_wait3A_297, %dma_wait3A_304, %dma_wait3A_305] : memref<3x2x128xi32, #tpu.memory_space<vmem>> -> memref<1x2x128xi32, #tpu.memory_space<vmem>>
        %dma_wait3A_307 = tpu.memref_squeeze %dma_wait3A_306 : memref<1x2x128xi32, #tpu.memory_space<vmem>> -> memref<2x128xi32, #tpu.memory_space<vmem>>
        %dma_wait3A_308 = arith.constant 0 : i32
        %dma_wait3A_309 = tpu.memref_slice %arg3[%dma_wait3A_308, %mul3A_296] : memref<2x320000xi32, #tpu.memory_space<hbm>> -> memref<2x128xi32, #tpu.memory_space<hbm>>
        tpu.wait_dma2 semaphore(%arg11 : memref<!tpu.dma_semaphore, #tpu.memory_space<semaphore_mem>>) src(%dma_wait3A_309 : memref<2x128xi32, #tpu.memory_space<hbm>>) dst(%dma_wait3A_307 : memref<2x128xi32, #tpu.memory_space<vmem>>)
        %dma_start3A_310 = arith.constant 0 : i32
        %dma_start3A_311 = arith.constant 0 : i32
        %dma_start3A_312 = arith.constant 0 : i32
        %dma_start3A_313 = arith.constant 0 : i32
        %dma_start3A_314 = arith.constant 0 : i32
        %dma_start3A_315 = tpu.memref_slice %arg7[%dma_start3A_312, %dma_start3A_313, %dma_start3A_314] : memref<2x128x128xf32, #tpu.memory_space<vmem>> -> memref<1x128x128xf32, #tpu.memory_space<vmem>>
        %dma_start3A_316 = tpu.memref_squeeze %dma_start3A_315 : memref<1x128x128xf32, #tpu.memory_space<vmem>> -> memref<128x128xf32, #tpu.memory_space<vmem>>
        %dma_start3A_317 = arith.constant 0 : i32
        %dma_start3A_318 = tpu.memref_slice %arg6[%dma_start3A_310, %dma_start3A_311, %dma_start3A_317] : memref<3x2x128xi32, #tpu.memory_space<vmem>> -> memref<1x1x128xi32, #tpu.memory_space<vmem>>
        %dma_start3A_319 = tpu.memref_squeeze %dma_start3A_318 : memref<1x1x128xi32, #tpu.memory_space<vmem>> -> memref<128xi32, #tpu.memory_space<vmem>>
        %dma_start3A_320 = arith.constant 0 : i32
        %dma_start3A_321 = arith.constant 0 : i32
        %dma_start3A_322 = tpu.memref_slice %arg2[%dma_start3A_320, %dma_start3A_321] : memref<10000x128xf32, #tpu.memory_space<hbm>> -> memref<10000x128xf32, #tpu.memory_space<hbm>>
        tpu.enqueue_indirect_dma source(%dma_start3A_322 : memref<10000x128xf32, #tpu.memory_space<hbm>>) target(%dma_start3A_316 : memref<128x128xf32, #tpu.memory_space<vmem>>) offsets(%dma_start3A_319 : memref<128xi32, #tpu.memory_space<vmem>>) semaphore(%arg9 : memref<!tpu.dma_semaphore, #tpu.memory_space<semaphore_mem>>)
      } else {
      }
      %dma_wait3A_269 = arith.constant 2 : i32
      %dma_wait3A_270 = arith.constant 0 : i32
      %dma_wait3A_271 = arith.constant 1 : i32
      %dma_wait3A_272 = arith.constant 0 : i32
      %dma_wait3A_273 = arith.constant 0 : i32
      %dma_wait3A_274 = tpu.memref_slice %arg7[%dma_wait3A_271, %dma_wait3A_272, %dma_wait3A_273] : memref<2x128x128xf32, #tpu.memory_space<vmem>> -> memref<1x128x128xf32, #tpu.memory_space<vmem>>
      %dma_wait3A_275 = tpu.memref_squeeze %dma_wait3A_274 : memref<1x128x128xf32, #tpu.memory_space<vmem>> -> memref<128x128xf32, #tpu.memory_space<vmem>>
      %dma_wait3A_276 = arith.constant 0 : i32
      %dma_wait3A_277 = tpu.memref_slice %arg6[%dma_wait3A_269, %dma_wait3A_270, %dma_wait3A_276] : memref<3x2x128xi32, #tpu.memory_space<vmem>> -> memref<1x1x128xi32, #tpu.memory_space<vmem>>
      %dma_wait3A_278 = tpu.memref_squeeze %dma_wait3A_277 : memref<1x1x128xi32, #tpu.memory_space<vmem>> -> memref<128xi32, #tpu.memory_space<vmem>>
      %dma_wait3A_279 = arith.constant 0 : i32
      %dma_wait3A_280 = arith.constant 0 : i32
      %dma_wait3A_281 = tpu.memref_slice %arg2[%dma_wait3A_279, %dma_wait3A_280] : memref<10000x128xf32, #tpu.memory_space<hbm>> -> memref<10000x128xf32, #tpu.memory_space<hbm>>
      tpu.wait_indirect_dma semaphore(%arg10 : memref<!tpu.dma_semaphore, #tpu.memory_space<semaphore_mem>>) src(%dma_wait3A_281 : memref<10000x128xf32, #tpu.memory_space<hbm>>) dst(%dma_wait3A_275 : memref<128x128xf32, #tpu.memory_space<vmem>>)
      %add3A_282 = arith.constant 2 : i32
      %add3A_283 = arith.addi %add3A_261, %add3A_282 : i32
      %lt3A_284 = arith.constant 78 : i32
      %lt3A_285 = arith.cmpi slt, %add3A_283, %lt3A_284 : i32
      %convert_element_type3A_286 = arith.extui %lt3A_285 : i1 to i32
      %cond3A_287 = arith.constant 0 : i32
      %cond3A_288 = arith.cmpi ne, %convert_element_type3A_286, %cond3A_287 : i32
      scf.if %cond3A_288 {
        %add3A_292 = arith.addi %mul3A_2, %add3A_261 : i32
        %add3A_293 = arith.constant 2 : i32
        %add3A_294 = arith.addi %add3A_292, %add3A_293 : i32
        %mul3A_295 = arith.constant 128 : i32
        %mul3A_296 = arith.muli %add3A_294, %mul3A_295 : i32
        %dma_start3A_297 = arith.constant 1 : i32
        %dma_start3A_298 = arith.constant 0 : i32
        %dma_start3A_299 = arith.constant 0 : i32
        %dma_start3A_300 = tpu.memref_slice %arg6[%dma_start3A_297, %dma_start3A_298, %dma_start3A_299] : memref<3x2x128xi32, #tpu.memory_space<vmem>> -> memref<1x2x128xi32, #tpu.memory_space<vmem>>
        %dma_start3A_301 = tpu.memref_squeeze %dma_start3A_300 : memref<1x2x128xi32, #tpu.memory_space<vmem>> -> memref<2x128xi32, #tpu.memory_space<vmem>>
        %dma_start3A_302 = arith.constant 0 : i32
        %dma_start3A_303 = tpu.memref_slice %arg3[%dma_start3A_302, %mul3A_296] : memref<2x320000xi32, #tpu.memory_space<hbm>> -> memref<2x128xi32, #tpu.memory_space<hbm>>
        %dma_start3A_304 = arith.constant 0 : i32
        %dma_start3A_305 = arith.constant 0 : i32
        %dma_start3A_306 = tpu.memref_slice %arg6[%dma_start3A_297, %dma_start3A_304, %dma_start3A_305] : memref<3x2x128xi32, #tpu.memory_space<vmem>> -> memref<1x2x128xi32, #tpu.memory_space<vmem>>
        %dma_start3A_307 = tpu.memref_squeeze %dma_start3A_306 : memref<1x2x128xi32, #tpu.memory_space<vmem>> -> memref<2x128xi32, #tpu.memory_space<vmem>>
        %dma_start3A_308 = arith.constant 0 : i32
        %dma_start3A_309 = tpu.memref_slice %arg3[%dma_start3A_308, %mul3A_296] : memref<2x320000xi32, #tpu.memory_space<hbm>> -> memref<2x128xi32, #tpu.memory_space<hbm>>
        tpu.enqueue_dma source(%dma_start3A_309 : memref<2x128xi32, #tpu.memory_space<hbm>>) target(%dma_start3A_307 : memref<2x128xi32, #tpu.memory_space<vmem>>) target_semaphore(%arg11 : memref<!tpu.dma_semaphore, #tpu.memory_space<semaphore_mem>>)
      } else {
      }
      %run_scoped3A_289 = arith.constant 1 : i32
      %run_scoped3A_290 = arith.constant 2 : i32
      %run_scoped3A_291 = arith.constant 1 : i32
      "tpu.region"() ({
        %run_scoped3A_292 = tpu.sem_alloc : memref<!tpu.dma_semaphore, #tpu.memory_space<semaphore_mem>>
        %dma_start3A_293 = arith.constant 0 : i32
        %dma_start3A_294 = arith.constant 0 : i32
        %dma_start3A_295 = tpu.memref_slice %arg7[%run_scoped3A_289, %dma_start3A_293, %dma_start3A_294] : memref<2x128x128xf32, #tpu.memory_space<vmem>> -> memref<1x128x128xf32, #tpu.memory_space<vmem>>
        %dma_start3A_296 = tpu.memref_squeeze %dma_start3A_295 : memref<1x128x128xf32, #tpu.memory_space<vmem>> -> memref<128x128xf32, #tpu.memory_space<vmem>>
        %dma_start3A_297 = arith.constant 0 : i32
        %dma_start3A_298 = tpu.memref_slice %arg6[%run_scoped3A_290, %run_scoped3A_291, %dma_start3A_297] : memref<3x2x128xi32, #tpu.memory_space<vmem>> -> memref<1x1x128xi32, #tpu.memory_space<vmem>>
        %dma_start3A_299 = tpu.memref_squeeze %dma_start3A_298 : memref<1x1x128xi32, #tpu.memory_space<vmem>> -> memref<128xi32, #tpu.memory_space<vmem>>
        %dma_start3A_300 = arith.constant 0 : i32
        %dma_start3A_301 = arith.constant 0 : i32
        %dma_start3A_302 = tpu.memref_slice %arg8[%dma_start3A_300, %dma_start3A_301] : memref<10000x128xf32, #tpu.memory_space<vmem_shared>> -> memref<10000x128xf32, #tpu.memory_space<vmem_shared>>
        tpu.enqueue_indirect_dma source(%dma_start3A_296 : memref<128x128xf32, #tpu.memory_space<vmem>>) target(%dma_start3A_302 : memref<10000x128xf32, #tpu.memory_space<vmem_shared>>) offsets(%dma_start3A_299 : memref<128xi32, #tpu.memory_space<vmem>>) semaphore(%run_scoped3A_292 : memref<!tpu.dma_semaphore, #tpu.memory_space<semaphore_mem>>) {add = true}
        %dma_wait3A_303 = arith.constant 0 : i32
        %dma_wait3A_304 = arith.constant 0 : i32
        %dma_wait3A_305 = tpu.memref_slice %arg7[%run_scoped3A_289, %dma_wait3A_303, %dma_wait3A_304] : memref<2x128x128xf32, #tpu.memory_space<vmem>> -> memref<1x128x128xf32, #tpu.memory_space<vmem>>
        %dma_wait3A_306 = tpu.memref_squeeze %dma_wait3A_305 : memref<1x128x128xf32, #tpu.memory_space<vmem>> -> memref<128x128xf32, #tpu.memory_space<vmem>>
        %dma_wait3A_307 = arith.constant 0 : i32
        %dma_wait3A_308 = tpu.memref_slice %arg6[%run_scoped3A_290, %run_scoped3A_291, %dma_wait3A_307] : memref<3x2x128xi32, #tpu.memory_space<vmem>> -> memref<1x1x128xi32, #tpu.memory_space<vmem>>
        %dma_wait3A_309 = tpu.memref_squeeze %dma_wait3A_308 : memref<1x1x128xi32, #tpu.memory_space<vmem>> -> memref<128xi32, #tpu.memory_space<vmem>>
        %dma_wait3A_310 = arith.constant 0 : i32
        %dma_wait3A_311 = arith.constant 0 : i32
        %dma_wait3A_312 = tpu.memref_slice %arg8[%dma_wait3A_310, %dma_wait3A_311] : memref<10000x128xf32, #tpu.memory_space<vmem_shared>> -> memref<10000x128xf32, #tpu.memory_space<vmem_shared>>
        tpu.wait_indirect_dma semaphore(%run_scoped3A_292 : memref<!tpu.dma_semaphore, #tpu.memory_space<semaphore_mem>>) src(%dma_wait3A_306 : memref<128x128xf32, #tpu.memory_space<vmem>>) dst(%dma_wait3A_312 : memref<10000x128xf32, #tpu.memory_space<vmem_shared>>)
        tpu.yield
      }) : () -> ()
    }
    %scan3A_71 = arith.constant 13 : i32
    %lt3A_72 = arith.constant 4 : i32
    %lt3A_73 = arith.cmpi slt, %add3A, %lt3A_72 : i32
    %convert_element_type3A_74 = arith.extui %lt3A_73 : i1 to i32
    %cond3A_75 = arith.constant 0 : i32
    %cond3A_76 = arith.cmpi ne, %convert_element_type3A_74, %cond3A_75 : i32
    scf.if %cond3A_76 {
      %add3A_88 = arith.constant 2496 : i32
      %add3A_89 = arith.addi %add3A_88, %add3A : i32
      %mul3A_90 = arith.constant 128 : i32
      %mul3A_91 = arith.muli %add3A_89, %mul3A_90 : i32
      %run_scoped3A = arith.constant 0 : i32
      "tpu.region"() ({
        %run_scoped3A_121 = tpu.sem_alloc : memref<!tpu.dma_semaphore, #tpu.memory_space<semaphore_mem>>
        %dma_start3A_122 = arith.constant 0 : i32
        %dma_start3A_123 = arith.constant 0 : i32
        %dma_start3A_124 = tpu.memref_slice %arg6[%run_scoped3A, %dma_start3A_122, %dma_start3A_123] : memref<3x2x128xi32, #tpu.memory_space<vmem>> -> memref<1x2x128xi32, #tpu.memory_space<vmem>>
        %dma_start3A_125 = tpu.memref_squeeze %dma_start3A_124 : memref<1x2x128xi32, #tpu.memory_space<vmem>> -> memref<2x128xi32, #tpu.memory_space<vmem>>
        %dma_start3A_126 = arith.constant 0 : i32
        %dma_start3A_127 = tpu.memref_slice %arg3[%dma_start3A_126, %mul3A_91] : memref<2x320000xi32, #tpu.memory_space<hbm>> -> memref<2x128xi32, #tpu.memory_space<hbm>>
        %dma_start3A_128 = arith.constant 0 : i32
        %dma_start3A_129 = arith.constant 0 : i32
        %dma_start3A_130 = tpu.memref_slice %arg6[%run_scoped3A, %dma_start3A_128, %dma_start3A_129] : memref<3x2x128xi32, #tpu.memory_space<vmem>> -> memref<1x2x128xi32, #tpu.memory_space<vmem>>
        %dma_start3A_131 = tpu.memref_squeeze %dma_start3A_130 : memref<1x2x128xi32, #tpu.memory_space<vmem>> -> memref<2x128xi32, #tpu.memory_space<vmem>>
        %dma_start3A_132 = arith.constant 0 : i32
        %dma_start3A_133 = tpu.memref_slice %arg3[%dma_start3A_132, %mul3A_91] : memref<2x320000xi32, #tpu.memory_space<hbm>> -> memref<2x128xi32, #tpu.memory_space<hbm>>
        tpu.enqueue_dma source(%dma_start3A_133 : memref<2x128xi32, #tpu.memory_space<hbm>>) target(%dma_start3A_131 : memref<2x128xi32, #tpu.memory_space<vmem>>) target_semaphore(%run_scoped3A_121 : memref<!tpu.dma_semaphore, #tpu.memory_space<semaphore_mem>>)
        %dma_wait3A_134 = arith.constant 0 : i32
        %dma_wait3A_135 = arith.constant 0 : i32
        %dma_wait3A_136 = tpu.memref_slice %arg6[%run_scoped3A, %dma_wait3A_134, %dma_wait3A_135] : memref<3x2x128xi32, #tpu.memory_space<vmem>> -> memref<1x2x128xi32, #tpu.memory_space<vmem>>
        %dma_wait3A_137 = tpu.memref_squeeze %dma_wait3A_136 : memref<1x2x128xi32, #tpu.memory_space<vmem>> -> memref<2x128xi32, #tpu.memory_space<vmem>>
        %dma_wait3A_138 = arith.constant 0 : i32
        %dma_wait3A_139 = tpu.memref_slice %arg3[%dma_wait3A_138, %mul3A_91] : memref<2x320000xi32, #tpu.memory_space<hbm>> -> memref<2x128xi32, #tpu.memory_space<hbm>>
        %dma_wait3A_140 = arith.constant 0 : i32
        %dma_wait3A_141 = arith.constant 0 : i32
        %dma_wait3A_142 = tpu.memref_slice %arg6[%run_scoped3A, %dma_wait3A_140, %dma_wait3A_141] : memref<3x2x128xi32, #tpu.memory_space<vmem>> -> memref<1x2x128xi32, #tpu.memory_space<vmem>>
        %dma_wait3A_143 = tpu.memref_squeeze %dma_wait3A_142 : memref<1x2x128xi32, #tpu.memory_space<vmem>> -> memref<2x128xi32, #tpu.memory_space<vmem>>
        %dma_wait3A_144 = arith.constant 0 : i32
        %dma_wait3A_145 = tpu.memref_slice %arg3[%dma_wait3A_144, %mul3A_91] : memref<2x320000xi32, #tpu.memory_space<hbm>> -> memref<2x128xi32, #tpu.memory_space<hbm>>
        tpu.wait_dma2 semaphore(%run_scoped3A_121 : memref<!tpu.dma_semaphore, #tpu.memory_space<semaphore_mem>>) src(%dma_wait3A_145 : memref<2x128xi32, #tpu.memory_space<hbm>>) dst(%dma_wait3A_143 : memref<2x128xi32, #tpu.memory_space<vmem>>)
        tpu.yield
      }) : () -> ()
      %dma_start3A_92 = arith.constant 0 : i32
      %dma_start3A_93 = arith.constant 0 : i32
      %dma_start3A_94 = arith.constant 0 : i32
      %dma_start3A_95 = arith.constant 0 : i32
      %dma_start3A_96 = arith.constant 0 : i32
      %dma_start3A_97 = tpu.memref_slice %arg7[%dma_start3A_94, %dma_start3A_95, %dma_start3A_96] : memref<2x128x128xf32, #tpu.memory_space<vmem>> -> memref<1x128x128xf32, #tpu.memory_space<vmem>>
      %dma_start3A_98 = tpu.memref_squeeze %dma_start3A_97 : memref<1x128x128xf32, #tpu.memory_space<vmem>> -> memref<128x128xf32, #tpu.memory_space<vmem>>
      %dma_start3A_99 = arith.constant 0 : i32
      %dma_start3A_100 = tpu.memref_slice %arg6[%dma_start3A_92, %dma_start3A_93, %dma_start3A_99] : memref<3x2x128xi32, #tpu.memory_space<vmem>> -> memref<1x1x128xi32, #tpu.memory_space<vmem>>
      %dma_start3A_101 = tpu.memref_squeeze %dma_start3A_100 : memref<1x1x128xi32, #tpu.memory_space<vmem>> -> memref<128xi32, #tpu.memory_space<vmem>>
      %dma_start3A_102 = arith.constant 0 : i32
      %dma_start3A_103 = arith.constant 0 : i32
      %dma_start3A_104 = tpu.memref_slice %arg2[%dma_start3A_102, %dma_start3A_103] : memref<10000x128xf32, #tpu.memory_space<hbm>> -> memref<10000x128xf32, #tpu.memory_space<hbm>>
      tpu.enqueue_indirect_dma source(%dma_start3A_104 : memref<10000x128xf32, #tpu.memory_space<hbm>>) target(%dma_start3A_98 : memref<128x128xf32, #tpu.memory_space<vmem>>) offsets(%dma_start3A_101 : memref<128xi32, #tpu.memory_space<vmem>>) semaphore(%arg9 : memref<!tpu.dma_semaphore, #tpu.memory_space<semaphore_mem>>)
      %dma_wait3A_105 = arith.constant 0 : i32
      %dma_wait3A_106 = arith.constant 0 : i32
      %dma_wait3A_107 = arith.constant 0 : i32
      %dma_wait3A_108 = arith.constant 0 : i32
      %dma_wait3A_109 = arith.constant 0 : i32
      %dma_wait3A_110 = tpu.memref_slice %arg7[%dma_wait3A_107, %dma_wait3A_108, %dma_wait3A_109] : memref<2x128x128xf32, #tpu.memory_space<vmem>> -> memref<1x128x128xf32, #tpu.memory_space<vmem>>
      %dma_wait3A_111 = tpu.memref_squeeze %dma_wait3A_110 : memref<1x128x128xf32, #tpu.memory_space<vmem>> -> memref<128x128xf32, #tpu.memory_space<vmem>>
      %dma_wait3A_112 = arith.constant 0 : i32
      %dma_wait3A_113 = tpu.memref_slice %arg6[%dma_wait3A_105, %dma_wait3A_106, %dma_wait3A_112] : memref<3x2x128xi32, #tpu.memory_space<vmem>> -> memref<1x1x128xi32, #tpu.memory_space<vmem>>
      %dma_wait3A_114 = tpu.memref_squeeze %dma_wait3A_113 : memref<1x1x128xi32, #tpu.memory_space<vmem>> -> memref<128xi32, #tpu.memory_space<vmem>>
      %dma_wait3A_115 = arith.constant 0 : i32
      %dma_wait3A_116 = arith.constant 0 : i32
      %dma_wait3A_117 = tpu.memref_slice %arg2[%dma_wait3A_115, %dma_wait3A_116] : memref<10000x128xf32, #tpu.memory_space<hbm>> -> memref<10000x128xf32, #tpu.memory_space<hbm>>
      tpu.wait_indirect_dma semaphore(%arg9 : memref<!tpu.dma_semaphore, #tpu.memory_space<semaphore_mem>>) src(%dma_wait3A_117 : memref<10000x128xf32, #tpu.memory_space<hbm>>) dst(%dma_wait3A_111 : memref<128x128xf32, #tpu.memory_space<vmem>>)
      %run_scoped3A_118 = arith.constant 0 : i32
      %run_scoped3A_119 = arith.constant 0 : i32
      %run_scoped3A_120 = arith.constant 1 : i32
      "tpu.region"() ({
        %run_scoped3A_121 = tpu.sem_alloc : memref<!tpu.dma_semaphore, #tpu.memory_space<semaphore_mem>>
        %dma_start3A_122 = arith.constant 0 : i32
        %dma_start3A_123 = arith.constant 0 : i32
        %dma_start3A_124 = tpu.memref_slice %arg7[%run_scoped3A_118, %dma_start3A_122, %dma_start3A_123] : memref<2x128x128xf32, #tpu.memory_space<vmem>> -> memref<1x128x128xf32, #tpu.memory_space<vmem>>
        %dma_start3A_125 = tpu.memref_squeeze %dma_start3A_124 : memref<1x128x128xf32, #tpu.memory_space<vmem>> -> memref<128x128xf32, #tpu.memory_space<vmem>>
        %dma_start3A_126 = arith.constant 0 : i32
        %dma_start3A_127 = tpu.memref_slice %arg6[%run_scoped3A_119, %run_scoped3A_120, %dma_start3A_126] : memref<3x2x128xi32, #tpu.memory_space<vmem>> -> memref<1x1x128xi32, #tpu.memory_space<vmem>>
        %dma_start3A_128 = tpu.memref_squeeze %dma_start3A_127 : memref<1x1x128xi32, #tpu.memory_space<vmem>> -> memref<128xi32, #tpu.memory_space<vmem>>
        %dma_start3A_129 = arith.constant 0 : i32
        %dma_start3A_130 = arith.constant 0 : i32
        %dma_start3A_131 = tpu.memref_slice %arg8[%dma_start3A_129, %dma_start3A_130] : memref<10000x128xf32, #tpu.memory_space<vmem_shared>> -> memref<10000x128xf32, #tpu.memory_space<vmem_shared>>
        tpu.enqueue_indirect_dma source(%dma_start3A_125 : memref<128x128xf32, #tpu.memory_space<vmem>>) target(%dma_start3A_131 : memref<10000x128xf32, #tpu.memory_space<vmem_shared>>) offsets(%dma_start3A_128 : memref<128xi32, #tpu.memory_space<vmem>>) semaphore(%run_scoped3A_121 : memref<!tpu.dma_semaphore, #tpu.memory_space<semaphore_mem>>) {add = true}
        %dma_wait3A_132 = arith.constant 0 : i32
        %dma_wait3A_133 = arith.constant 0 : i32
        %dma_wait3A_134 = tpu.memref_slice %arg7[%run_scoped3A_118, %dma_wait3A_132, %dma_wait3A_133] : memref<2x128x128xf32, #tpu.memory_space<vmem>> -> memref<1x128x128xf32, #tpu.memory_space<vmem>>
        %dma_wait3A_135 = tpu.memref_squeeze %dma_wait3A_134 : memref<1x128x128xf32, #tpu.memory_space<vmem>> -> memref<128x128xf32, #tpu.memory_space<vmem>>
        %dma_wait3A_136 = arith.constant 0 : i32
        %dma_wait3A_137 = tpu.memref_slice %arg6[%run_scoped3A_119, %run_scoped3A_120, %dma_wait3A_136] : memref<3x2x128xi32, #tpu.memory_space<vmem>> -> memref<1x1x128xi32, #tpu.memory_space<vmem>>
        %dma_wait3A_138 = tpu.memref_squeeze %dma_wait3A_137 : memref<1x1x128xi32, #tpu.memory_space<vmem>> -> memref<128xi32, #tpu.memory_space<vmem>>
        %dma_wait3A_139 = arith.constant 0 : i32
        %dma_wait3A_140 = arith.constant 0 : i32
        %dma_wait3A_141 = tpu.memref_slice %arg8[%dma_wait3A_139, %dma_wait3A_140] : memref<10000x128xf32, #tpu.memory_space<vmem_shared>> -> memref<10000x128xf32, #tpu.memory_space<vmem_shared>>
        tpu.wait_indirect_dma semaphore(%run_scoped3A_121 : memref<!tpu.dma_semaphore, #tpu.memory_space<semaphore_mem>>) src(%dma_wait3A_135 : memref<128x128xf32, #tpu.memory_space<vmem>>) dst(%dma_wait3A_141 : memref<10000x128xf32, #tpu.memory_space<vmem_shared>>)
        tpu.yield
      }) : () -> ()
    } else {
    }
    %barrier3A_77 = arith.constant 0 : index
    tpu.barrier barrier_id(%barrier3A_77)
    %lt3A_78 = arith.constant 15 : i32
    %lt3A_79 = arith.cmpi slt, %arg1, %lt3A_78 : i32
    %convert_element_type3A_80 = arith.extui %lt3A_79 : i1 to i32
    %cond3A_81 = arith.constant 0 : i32
    %cond3A_82 = arith.cmpi ne, %convert_element_type3A_80, %cond3A_81 : i32
    scf.if %cond3A_82 {
      %mul3A_88 = arith.constant 624 : i32
      %mul3A_89 = arith.muli %arg1, %mul3A_88 : i32
      %mul3A_90 = arith.constant 624 : i32
      %mul3A_91 = arith.muli %arg1, %mul3A_90 : i32
      "tpu.region"() ({
        %run_scoped3A = tpu.sem_alloc : memref<!tpu.dma_semaphore, #tpu.memory_space<semaphore_mem>>
        %dma_start3A_92 = arith.constant 0 : i32
        %dma_start3A_93 = tpu.memref_slice %arg5[%arg0, %mul3A_91, %dma_start3A_92] : memref<2x10000x128xf32, #tpu.memory_space<hbm>> -> memref<1x624x128xf32, #tpu.memory_space<hbm>>
        %dma_start3A_94 = tpu.memref_squeeze %dma_start3A_93 : memref<1x624x128xf32, #tpu.memory_space<hbm>> -> memref<624x128xf32, #tpu.memory_space<hbm>>
        %dma_start3A_95 = arith.constant 0 : i32
        %dma_start3A_96 = tpu.memref_slice %arg8[%mul3A_89, %dma_start3A_95] : memref<10000x128xf32, #tpu.memory_space<vmem_shared>> -> memref<624x128xf32, #tpu.memory_space<vmem_shared>>
        tpu.enqueue_dma source(%dma_start3A_96 : memref<624x128xf32, #tpu.memory_space<vmem_shared>>) target(%dma_start3A_94 : memref<624x128xf32, #tpu.memory_space<hbm>>) target_semaphore(%run_scoped3A : memref<!tpu.dma_semaphore, #tpu.memory_space<semaphore_mem>>)
        %dma_wait3A_97 = arith.constant 0 : i32
        %dma_wait3A_98 = tpu.memref_slice %arg5[%arg0, %mul3A_91, %dma_wait3A_97] : memref<2x10000x128xf32, #tpu.memory_space<hbm>> -> memref<1x624x128xf32, #tpu.memory_space<hbm>>
        %dma_wait3A_99 = tpu.memref_squeeze %dma_wait3A_98 : memref<1x624x128xf32, #tpu.memory_space<hbm>> -> memref<624x128xf32, #tpu.memory_space<hbm>>
        %dma_wait3A_100 = arith.constant 0 : i32
        %dma_wait3A_101 = tpu.memref_slice %arg8[%mul3A_89, %dma_wait3A_100] : memref<10000x128xf32, #tpu.memory_space<vmem_shared>> -> memref<624x128xf32, #tpu.memory_space<vmem_shared>>
        tpu.wait_dma2 semaphore(%run_scoped3A : memref<!tpu.dma_semaphore, #tpu.memory_space<semaphore_mem>>) src(%dma_wait3A_101 : memref<624x128xf32, #tpu.memory_space<vmem_shared>>) dst(%dma_wait3A_99 : memref<624x128xf32, #tpu.memory_space<hbm>>)
        tpu.yield
      }) : () -> ()
    } else {
    }
    %eq3A_83 = arith.constant 15 : i32
    %eq3A_84 = arith.cmpi eq, %arg1, %eq3A_83 : i32
    %convert_element_type3A_85 = arith.extui %eq3A_84 : i1 to i32
    %cond3A_86 = arith.constant 0 : i32
    %cond3A_87 = arith.cmpi ne, %convert_element_type3A_85, %cond3A_86 : i32
    scf.if %cond3A_87 {
      "tpu.region"() ({
        %run_scoped3A = tpu.sem_alloc : memref<!tpu.dma_semaphore, #tpu.memory_space<semaphore_mem>>
        %dma_start3A_88 = arith.constant 9360 : i32
        %dma_start3A_89 = arith.constant 0 : i32
        %dma_start3A_90 = tpu.memref_slice %arg5[%arg0, %dma_start3A_88, %dma_start3A_89] : memref<2x10000x128xf32, #tpu.memory_space<hbm>> -> memref<1x640x128xf32, #tpu.memory_space<hbm>>
        %dma_start3A_91 = tpu.memref_squeeze %dma_start3A_90 : memref<1x640x128xf32, #tpu.memory_space<hbm>> -> memref<640x128xf32, #tpu.memory_space<hbm>>
        %dma_start3A_92 = arith.constant 9360 : i32
        %dma_start3A_93 = arith.constant 0 : i32
        %dma_start3A_94 = tpu.memref_slice %arg8[%dma_start3A_92, %dma_start3A_93] : memref<10000x128xf32, #tpu.memory_space<vmem_shared>> -> memref<640x128xf32, #tpu.memory_space<vmem_shared>>
        tpu.enqueue_dma source(%dma_start3A_94 : memref<640x128xf32, #tpu.memory_space<vmem_shared>>) target(%dma_start3A_91 : memref<640x128xf32, #tpu.memory_space<hbm>>) target_semaphore(%run_scoped3A : memref<!tpu.dma_semaphore, #tpu.memory_space<semaphore_mem>>)
        %dma_wait3A_95 = arith.constant 9360 : i32
        %dma_wait3A_96 = arith.constant 0 : i32
        %dma_wait3A_97 = tpu.memref_slice %arg5[%arg0, %dma_wait3A_95, %dma_wait3A_96] : memref<2x10000x128xf32, #tpu.memory_space<hbm>> -> memref<1x640x128xf32, #tpu.memory_space<hbm>>
        %dma_wait3A_98 = tpu.memref_squeeze %dma_wait3A_97 : memref<1x640x128xf32, #tpu.memory_space<hbm>> -> memref<640x128xf32, #tpu.memory_space<hbm>>
        %dma_wait3A_99 = arith.constant 9360 : i32
        %dma_wait3A_100 = arith.constant 0 : i32
        %dma_wait3A_101 = tpu.memref_slice %arg8[%dma_wait3A_99, %dma_wait3A_100] : memref<10000x128xf32, #tpu.memory_space<vmem_shared>> -> memref<640x128xf32, #tpu.memory_space<vmem_shared>>
        tpu.wait_dma2 semaphore(%run_scoped3A : memref<!tpu.dma_semaphore, #tpu.memory_space<semaphore_mem>>) src(%dma_wait3A_101 : memref<640x128xf32, #tpu.memory_space<vmem_shared>>) dst(%dma_wait3A_98 : memref<640x128xf32, #tpu.memory_space<hbm>>)
        tpu.yield
      }) : () -> ()
    } else {
    }
    return
  }
}

module attributes {stable_mosaic.version = 14 : i64} {
  func.func @_mesh_body(%arg0: i32, %arg1: memref<2x5000x128xf32, #tpu.memory_space<vmem>>, %arg2: memref<128x128xf32, #tpu.memory_space<vmem>>, %arg3: memref<1x128xf32, #tpu.memory_space<vmem>>, %arg4: memref<128x128xf32, #tpu.memory_space<vmem>>, %arg5: memref<1x128xf32, #tpu.memory_space<vmem>>, %arg6: memref<5000x128xf32, #tpu.memory_space<vmem>>) attributes {dimension_semantics = [#tpu.dimension_semantics<arbitrary>], iteration_bounds = array<i64: 2>, scalar_prefetch = 0 : i64, scratch_operands = 0 : i64, tpu.core_type = #tpu.core_type<tc>, window_params = [{transform_indices = @transform_0, window_bounds = array<i64: 2, 5000, 128>}, {pipeline_mode = #tpu.pipeline_mode<synchronous>, transform_indices = @transform_1, window_bounds = array<i64: 128, 128>}, {pipeline_mode = #tpu.pipeline_mode<synchronous>, transform_indices = @transform_2, window_bounds = array<i64: 1, 128>}, {pipeline_mode = #tpu.pipeline_mode<synchronous>, transform_indices = @transform_3, window_bounds = array<i64: 128, 128>}, {pipeline_mode = #tpu.pipeline_mode<synchronous>, transform_indices = @transform_4, window_bounds = array<i64: 1, 128>}, {transform_indices = @transform_5, window_bounds = array<i64: 5000, 128>}]} {
    %get3A = arith.constant 0 : index
    %get3A_0 = arith.constant 0 : index
    %get3A_1 = arith.constant 0 : index
    %get3A_2 = vector.load %arg1[%get3A, %get3A_0, %get3A_1] : memref<2x5000x128xf32, #tpu.memory_space<vmem>>, vector<1x5000x128xf32>
    %get3A_3 = vector.shape_cast %get3A_2 : vector<1x5000x128xf32> to vector<5000x128xf32>
    %get3A_4 = arith.constant 1 : index
    %get3A_5 = arith.constant 0 : index
    %get3A_6 = arith.constant 0 : index
    %get3A_7 = vector.load %arg1[%get3A_4, %get3A_5, %get3A_6] : memref<2x5000x128xf32, #tpu.memory_space<vmem>>, vector<1x5000x128xf32>
    %get3A_8 = vector.shape_cast %get3A_7 : vector<1x5000x128xf32> to vector<5000x128xf32>
    %add3A = arith.addf %get3A_3, %get3A_8 : vector<5000x128xf32>
    %get3A_9 = arith.constant 0 : index
    %get3A_10 = arith.constant 0 : index
    %get3A_11 = vector.load %arg2[%get3A_9, %get3A_10] : memref<128x128xf32, #tpu.memory_space<vmem>>, vector<128x128xf32>
    %dot_general3A = arith.constant dense<0.000000e+00> : vector<5000x128xf32>
    %dot_general3A_12 = tpu.matmul %add3A, %get3A_11, %dot_general3A {dimension_numbers = #tpu.dot_dimension_numbers<[1], [0], [0], [1], [0, 0, 1, 1], [], []>, transpose_lhs_hint = false} : vector<5000x128xf32>, vector<128x128xf32>, vector<5000x128xf32> -> vector<5000x128xf32>
    %get3A_13 = arith.constant 0 : index
    %get3A_14 = arith.constant 0 : index
    %get3A_15 = vector.load %arg3[%get3A_13, %get3A_14] : memref<1x128xf32, #tpu.memory_space<vmem>>, vector<1x128xf32>
    %add3A_16 = vector.broadcast %get3A_15 : vector<1x128xf32> to vector<5000x128xf32>
    %add3A_17 = arith.addf %dot_general3A_12, %add3A_16 : vector<5000x128xf32>
    %max3A = arith.constant 0.000000e+00 : f32
    %max3A_18 = vector.broadcast %max3A : f32 to vector<5000x128xf32>
    %max3A_19 = arith.maximumf %add3A_17, %max3A_18 : vector<5000x128xf32>
    %get3A_20 = arith.constant 0 : index
    %get3A_21 = arith.constant 0 : index
    %get3A_22 = vector.load %arg4[%get3A_20, %get3A_21] : memref<128x128xf32, #tpu.memory_space<vmem>>, vector<128x128xf32>
    %dot_general3A_23 = arith.constant dense<0.000000e+00> : vector<5000x128xf32>
    %dot_general3A_24 = tpu.matmul %max3A_19, %get3A_22, %dot_general3A_23 {dimension_numbers = #tpu.dot_dimension_numbers<[1], [0], [0], [1], [0, 0, 1, 1], [], []>, transpose_lhs_hint = false} : vector<5000x128xf32>, vector<128x128xf32>, vector<5000x128xf32> -> vector<5000x128xf32>
    %get3A_25 = arith.constant 0 : index
    %get3A_26 = arith.constant 0 : index
    %get3A_27 = vector.load %arg5[%get3A_25, %get3A_26] : memref<1x128xf32, #tpu.memory_space<vmem>>, vector<1x128xf32>
    %add3A_28 = vector.broadcast %get3A_27 : vector<1x128xf32> to vector<5000x128xf32>
    %add3A_29 = arith.addf %dot_general3A_24, %add3A_28 : vector<5000x128xf32>
    %swap3A = arith.constant 0 : index
    %swap3A_30 = arith.constant 0 : index
    %swap3A_31 = vector.load %arg6[%swap3A, %swap3A_30] : memref<5000x128xf32, #tpu.memory_space<vmem>>, vector<5000x128xf32>
    tpu.vector_store %arg6[%swap3A, %swap3A_30], %add3A_29 {strides = array<i32>} : memref<5000x128xf32, #tpu.memory_space<vmem>>, vector<5000x128xf32>,
    return
  }
  func.func @transform_0(%arg0: i32) -> (i32, i32, i32) {
    %c0_i32 = arith.constant 0 : i32
    %c0_i32_0 = arith.constant 0 : i32
    %c0_i32_1 = arith.constant 0 : i32
    return %c0_i32, %arg0, %c0_i32_0 : i32, i32, i32
  }
  func.func @transform_1(%arg0: i32) -> (i32, i32) {
    %c0_i32 = arith.constant 0 : i32
    %c0_i32_0 = arith.constant 0 : i32
    %c0_i32_1 = arith.constant 0 : i32
    return %c0_i32, %c0_i32_0 : i32, i32
  }
  func.func @transform_2(%arg0: i32) -> (i32, i32) {
    %c0_i32 = arith.constant 0 : i32
    %c0_i32_0 = arith.constant 0 : i32
    %c0_i32_1 = arith.constant 0 : i32
    return %c0_i32, %c0_i32_0 : i32, i32
  }
  func.func @transform_3(%arg0: i32) -> (i32, i32) {
    %c0_i32 = arith.constant 0 : i32
    %c0_i32_0 = arith.constant 0 : i32
    %c0_i32_1 = arith.constant 0 : i32
    return %c0_i32, %c0_i32_0 : i32, i32
  }
  func.func @transform_4(%arg0: i32) -> (i32, i32) {
    %c0_i32 = arith.constant 0 : i32
    %c0_i32_0 = arith.constant 0 : i32
    %c0_i32_1 = arith.constant 0 : i32
    return %c0_i32, %c0_i32_0 : i32, i32
  }
  func.func @transform_5(%arg0: i32) -> (i32, i32) {
    %c0_i32 = arith.constant 0 : i32
    %c0_i32_0 = arith.constant 0 : i32
    return %arg0, %c0_i32 : i32, i32
  }
}

module attributes {stable_mosaic.version = 14 : i64} {
  func.func @_edge_mlp_body(%arg0: i32, %arg1: memref<5000x128xf32, #tpu.memory_space<vmem>>, %arg2: memref<128x128xf32, #tpu.memory_space<vmem>>, %arg3: memref<1x128xf32, #tpu.memory_space<vmem>>, %arg4: memref<128x128xf32, #tpu.memory_space<vmem>>, %arg5: memref<1x128xf32, #tpu.memory_space<vmem>>, %arg6: memref<5000x128xf32, #tpu.memory_space<vmem>>) attributes {dimension_semantics = [#tpu.dimension_semantics<arbitrary>], iteration_bounds = array<i64: 2>, scalar_prefetch = 0 : i64, scratch_operands = 0 : i64, tpu.core_type = #tpu.core_type<tc>, window_params = [{transform_indices = @transform_0, window_bounds = array<i64: 5000, 128>}, {pipeline_mode = #tpu.pipeline_mode<synchronous>, transform_indices = @transform_1, window_bounds = array<i64: 128, 128>}, {pipeline_mode = #tpu.pipeline_mode<synchronous>, transform_indices = @transform_2, window_bounds = array<i64: 1, 128>}, {pipeline_mode = #tpu.pipeline_mode<synchronous>, transform_indices = @transform_3, window_bounds = array<i64: 128, 128>}, {pipeline_mode = #tpu.pipeline_mode<synchronous>, transform_indices = @transform_4, window_bounds = array<i64: 1, 128>}, {transform_indices = @transform_5, window_bounds = array<i64: 5000, 128>}]} {
    %get3A = arith.constant 0 : index
    %get3A_0 = arith.constant 0 : index
    %get3A_1 = vector.load %arg1[%get3A, %get3A_0] : memref<5000x128xf32, #tpu.memory_space<vmem>>, vector<5000x128xf32>
    %get3A_2 = arith.constant 0 : index
    %get3A_3 = arith.constant 0 : index
    %get3A_4 = vector.load %arg2[%get3A_2, %get3A_3] : memref<128x128xf32, #tpu.memory_space<vmem>>, vector<128x128xf32>
    %dot_general3A = arith.constant dense<0.000000e+00> : vector<5000x128xf32>
    %dot_general3A_5 = tpu.matmul %get3A_1, %get3A_4, %dot_general3A {dimension_numbers = #tpu.dot_dimension_numbers<[1], [0], [0], [1], [0, 0, 1, 1], [], []>, transpose_lhs_hint = false} : vector<5000x128xf32>, vector<128x128xf32>, vector<5000x128xf32> -> vector<5000x128xf32>
    %get3A_6 = arith.constant 0 : index
    %get3A_7 = arith.constant 0 : index
    %get3A_8 = vector.load %arg3[%get3A_6, %get3A_7] : memref<1x128xf32, #tpu.memory_space<vmem>>, vector<1x128xf32>
    %add3A = vector.broadcast %get3A_8 : vector<1x128xf32> to vector<5000x128xf32>
    %add3A_9 = arith.addf %dot_general3A_5, %add3A : vector<5000x128xf32>
    %max3A = arith.constant 0.000000e+00 : f32
    %max3A_10 = vector.broadcast %max3A : f32 to vector<5000x128xf32>
    %max3A_11 = arith.maximumf %add3A_9, %max3A_10 : vector<5000x128xf32>
    %get3A_12 = arith.constant 0 : index
    %get3A_13 = arith.constant 0 : index
    %get3A_14 = vector.load %arg4[%get3A_12, %get3A_13] : memref<128x128xf32, #tpu.memory_space<vmem>>, vector<128x128xf32>
    %dot_general3A_15 = arith.constant dense<0.000000e+00> : vector<5000x128xf32>
    %dot_general3A_16 = tpu.matmul %max3A_11, %get3A_14, %dot_general3A_15 {dimension_numbers = #tpu.dot_dimension_numbers<[1], [0], [0], [1], [0, 0, 1, 1], [], []>, transpose_lhs_hint = false} : vector<5000x128xf32>, vector<128x128xf32>, vector<5000x128xf32> -> vector<5000x128xf32>
    %get3A_17 = arith.constant 0 : index
    %get3A_18 = arith.constant 0 : index
    %get3A_19 = vector.load %arg5[%get3A_17, %get3A_18] : memref<1x128xf32, #tpu.memory_space<vmem>>, vector<1x128xf32>
    %add3A_20 = vector.broadcast %get3A_19 : vector<1x128xf32> to vector<5000x128xf32>
    %add3A_21 = arith.addf %dot_general3A_16, %add3A_20 : vector<5000x128xf32>
    %swap3A = arith.constant 0 : index
    %swap3A_22 = arith.constant 0 : index
    %swap3A_23 = vector.load %arg6[%swap3A, %swap3A_22] : memref<5000x128xf32, #tpu.memory_space<vmem>>, vector<5000x128xf32>
    tpu.vector_store %arg6[%swap3A, %swap3A_22], %add3A_21 {strides = array<i32>} : memref<5000x128xf32, #tpu.memory_space<vmem>>, vector<5000x128xf32>,
    return
  }
  func.func @transform_0(%arg0: i32) -> (i32, i32) {
    %c0_i32 = arith.constant 0 : i32
    %c0_i32_0 = arith.constant 0 : i32
    return %arg0, %c0_i32 : i32, i32
  }
  func.func @transform_1(%arg0: i32) -> (i32, i32) {
    %c0_i32 = arith.constant 0 : i32
    %c0_i32_0 = arith.constant 0 : i32
    %c0_i32_1 = arith.constant 0 : i32
    return %c0_i32, %c0_i32_0 : i32, i32
  }
  func.func @transform_2(%arg0: i32) -> (i32, i32) {
    %c0_i32 = arith.constant 0 : i32
    %c0_i32_0 = arith.constant 0 : i32
    %c0_i32_1 = arith.constant 0 : i32
    return %c0_i32, %c0_i32_0 : i32, i32
  }
  func.func @transform_3(%arg0: i32) -> (i32, i32) {
    %c0_i32 = arith.constant 0 : i32
    %c0_i32_0 = arith.constant 0 : i32
    %c0_i32_1 = arith.constant 0 : i32
    return %c0_i32, %c0_i32_0 : i32, i32
  }
  func.func @transform_4(%arg0: i32) -> (i32, i32) {
    %c0_i32 = arith.constant 0 : i32
    %c0_i32_0 = arith.constant 0 : i32
    %c0_i32_1 = arith.constant 0 : i32
    return %c0_i32, %c0_i32_0 : i32, i32
  }
  func.func @transform_5(%arg0: i32) -> (i32, i32) {
    %c0_i32 = arith.constant 0 : i32
    %c0_i32_0 = arith.constant 0 : i32
    return %arg0, %c0_i32 : i32, i32
  }
}

module attributes {stable_mosaic.version = 14 : i64} {
  func.func @_grid_mlp_body(%arg0: i32, %arg1: memref<5000x128xf32, #tpu.memory_space<vmem>>, %arg2: memref<128x128xf32, #tpu.memory_space<vmem>>, %arg3: memref<1x128xf32, #tpu.memory_space<vmem>>, %arg4: memref<128x128xf32, #tpu.memory_space<vmem>>, %arg5: memref<1x128xf32, #tpu.memory_space<vmem>>, %arg6: memref<5000x128xf32, #tpu.memory_space<vmem>>) attributes {dimension_semantics = [#tpu.dimension_semantics<arbitrary>], iteration_bounds = array<i64: 2>, scalar_prefetch = 0 : i64, scratch_operands = 0 : i64, tpu.core_type = #tpu.core_type<tc>, window_params = [{transform_indices = @transform_0, window_bounds = array<i64: 5000, 128>}, {pipeline_mode = #tpu.pipeline_mode<synchronous>, transform_indices = @transform_1, window_bounds = array<i64: 128, 128>}, {pipeline_mode = #tpu.pipeline_mode<synchronous>, transform_indices = @transform_2, window_bounds = array<i64: 1, 128>}, {pipeline_mode = #tpu.pipeline_mode<synchronous>, transform_indices = @transform_3, window_bounds = array<i64: 128, 128>}, {pipeline_mode = #tpu.pipeline_mode<synchronous>, transform_indices = @transform_4, window_bounds = array<i64: 1, 128>}, {transform_indices = @transform_5, window_bounds = array<i64: 5000, 128>}]} {
    %get3A = arith.constant 0 : index
    %get3A_0 = arith.constant 0 : index
    %get3A_1 = vector.load %arg1[%get3A, %get3A_0] : memref<5000x128xf32, #tpu.memory_space<vmem>>, vector<5000x128xf32>
    %get3A_2 = arith.constant 0 : index
    %get3A_3 = arith.constant 0 : index
    %get3A_4 = vector.load %arg2[%get3A_2, %get3A_3] : memref<128x128xf32, #tpu.memory_space<vmem>>, vector<128x128xf32>
    %dot_general3A = arith.constant dense<0.000000e+00> : vector<5000x128xf32>
    %dot_general3A_5 = tpu.matmul %get3A_1, %get3A_4, %dot_general3A {dimension_numbers = #tpu.dot_dimension_numbers<[1], [0], [0], [1], [0, 0, 1, 1], [], []>, transpose_lhs_hint = false} : vector<5000x128xf32>, vector<128x128xf32>, vector<5000x128xf32> -> vector<5000x128xf32>
    %get3A_6 = arith.constant 0 : index
    %get3A_7 = arith.constant 0 : index
    %get3A_8 = vector.load %arg3[%get3A_6, %get3A_7] : memref<1x128xf32, #tpu.memory_space<vmem>>, vector<1x128xf32>
    %add3A = vector.broadcast %get3A_8 : vector<1x128xf32> to vector<5000x128xf32>
    %add3A_9 = arith.addf %dot_general3A_5, %add3A : vector<5000x128xf32>
    %max3A = arith.constant 0.000000e+00 : f32
    %max3A_10 = vector.broadcast %max3A : f32 to vector<5000x128xf32>
    %max3A_11 = arith.maximumf %add3A_9, %max3A_10 : vector<5000x128xf32>
    %get3A_12 = arith.constant 0 : index
    %get3A_13 = arith.constant 0 : index
    %get3A_14 = vector.load %arg4[%get3A_12, %get3A_13] : memref<128x128xf32, #tpu.memory_space<vmem>>, vector<128x128xf32>
    %dot_general3A_15 = arith.constant dense<0.000000e+00> : vector<5000x128xf32>
    %dot_general3A_16 = tpu.matmul %max3A_11, %get3A_14, %dot_general3A_15 {dimension_numbers = #tpu.dot_dimension_numbers<[1], [0], [0], [1], [0, 0, 1, 1], [], []>, transpose_lhs_hint = false} : vector<5000x128xf32>, vector<128x128xf32>, vector<5000x128xf32> -> vector<5000x128xf32>
    %add3A_17 = arith.addf %get3A_1, %dot_general3A_16 : vector<5000x128xf32>
    %get3A_18 = arith.constant 0 : index
    %get3A_19 = arith.constant 0 : index
    %get3A_20 = vector.load %arg5[%get3A_18, %get3A_19] : memref<1x128xf32, #tpu.memory_space<vmem>>, vector<1x128xf32>
    %add3A_21 = vector.broadcast %get3A_20 : vector<1x128xf32> to vector<5000x128xf32>
    %add3A_22 = arith.addf %add3A_17, %add3A_21 : vector<5000x128xf32>
    %swap3A = arith.constant 0 : index
    %swap3A_23 = arith.constant 0 : index
    %swap3A_24 = vector.load %arg6[%swap3A, %swap3A_23] : memref<5000x128xf32, #tpu.memory_space<vmem>>, vector<5000x128xf32>
    tpu.vector_store %arg6[%swap3A, %swap3A_23], %add3A_22 {strides = array<i32>} : memref<5000x128xf32, #tpu.memory_space<vmem>>, vector<5000x128xf32>,
    return
  }
  func.func @transform_0(%arg0: i32) -> (i32, i32) {
    %c0_i32 = arith.constant 0 : i32
    %c0_i32_0 = arith.constant 0 : i32
    return %arg0, %c0_i32 : i32, i32
  }
  func.func @transform_1(%arg0: i32) -> (i32, i32) {
    %c0_i32 = arith.constant 0 : i32
    %c0_i32_0 = arith.constant 0 : i32
    %c0_i32_1 = arith.constant 0 : i32
    return %c0_i32, %c0_i32_0 : i32, i32
  }
  func.func @transform_2(%arg0: i32) -> (i32, i32) {
    %c0_i32 = arith.constant 0 : i32
    %c0_i32_0 = arith.constant 0 : i32
    %c0_i32_1 = arith.constant 0 : i32
    return %c0_i32, %c0_i32_0 : i32, i32
  }
  func.func @transform_3(%arg0: i32) -> (i32, i32) {
    %c0_i32 = arith.constant 0 : i32
    %c0_i32_0 = arith.constant 0 : i32
    %c0_i32_1 = arith.constant 0 : i32
    return %c0_i32, %c0_i32_0 : i32, i32
  }
  func.func @transform_4(%arg0: i32) -> (i32, i32) {
    %c0_i32 = arith.constant 0 : i32
    %c0_i32_0 = arith.constant 0 : i32
    %c0_i32_1 = arith.constant 0 : i32
    return %c0_i32, %c0_i32_0 : i32, i32
  }
  func.func @transform_5(%arg0: i32) -> (i32, i32) {
    %c0_i32 = arith.constant 0 : i32
    %c0_i32_0 = arith.constant 0 : i32
    return %arg0, %c0_i32 : i32, i32
  }
}

</mosaic_0001>

<sc_bundles>
// kernel: kernel.6.cloned.1.call-start
scs
__scs_entry_jumppad:
0x0: {  	(pc) =	sbr.rel $0x88, $3  }
0x1: {  	(tag) =	ssettag $0x0;
	lr =	simm.s32 $0x1  }
0x2: {  	[smem:$0x3F93] =	sst lr;
	_ =	strace $0xD0000000  }
0x3: {  	_ = 	snop  }
0x4: {  	_ = 	snop  }
0x5: {  	_ = 	snop  }
0x6: {  	_ = 	snop  }
0x7: {  	_ = 	snop  }
__scs_overlays_trampoline_lowered:
0x8: {  	[smem:$0x3FA2] =	sst s0  }
0x9: {  	[smem:$0x3FA3] =	sst s1  }
0xa: {  	[smem:$0x3FA4] =	sst s2  }
0xb: {  	[smem:$0x3FA5] =	sst s3  }
0xc: {  	[smem:$0x3FA6] =	sst s4  }
0xd: {  	[smem:$0x3FA7] =	sst s5  }
0xe: {  	[smem:$0x3FA8] =	sst s6  }
0xf: {  	[smem:$0x3FA9] =	sst s7  }
0x10: {  	[smem:$0x3FAA] =	sst s8  }
0x11: {  	[smem:$0x3FAB] =	sst s9;
	s0 =	simm.s32 @!p0 $0x0  }
0x12: {  	s1 =	sld [smem:$0x3F91];
	s0 =	simm.s32 @p0 $0x1  }
0x13: {  	[smem:$0x3FAC] =	sst s0;
	s0 =	simm.s32 @!p1 $0x0  }
0x14: {  	s2 =	sld [smem:$0x3F90];
	s0 =	simm.s32 @p1 $0x1  }
0x15: {  	[smem:$0x3FAD] =	sst s0;
	s0 =	simm.s32 @!p2 $0x0  }
0x16: {  	s3 =	sld [smem:$0x3FDB];
	s0 =	simm.s32 @p2 $0x1  }
0x17: {  	s4 =	simm.s32 $0x1BF5;
	[smem:$0x3FAF] =	sst s0  }
0x18: {  	s0 =	sld [smem:$0x3F92];
	_ =	swait.ge [sflag:s4], $0x0  }
0x19: {  	s7 =	sld [smem:$0x3F93]  }
0x1a: {  	s8 =	sadd.s32 $0xFFFFE003, lr  }
0x1b: {  	s9 =	sadd.s32 $0xFFFFFEF7, lr;
	s5 =	simm.s32 $0xFFFFFFFF;
	p2 =	slt.u32 s8, $0xFFFFF086  }
0x1c: {  	p1 =	slt.u32 s9, $0xF7A;
	s5 =	simm.s32 @!p2 $0x0  }
0x1d: {  	s5 =	simm.s32 @p1 $0x1;
	p0 =	seq.s32 s7, s2  }
0x1e: {  	s7 =	smul.u32 @!p0 $0xF7A, s2;
	p2 =	seq.s32 @!p0 s5, $0x0  }
0x1f: {  	s9 =	smul.u32 $0xF7A, s1;
	s8 =	simm.s32 @!p0 $0x1BF5;
	p2 =	por !p2, p0  }
0x20: {  	[sflag:s8] =	ssyncset.s32 @!p0 $0xFFFFF086;
	s6 =	sadd.s32 @!p0 s3, s7;
	s7 =	simm.s32 @!p0 $0x108  }
0x21: {  	s3 =	sadd.s32 s3, s9;
	s6 =	sadd.s32 @!p0 $0x88, s6;
	s7 =	simm.s32 @p2 $0x1082  }
0x22: {  	[simem:s7], [sflag:s8] =	dma.local @!p0 [hbm:s6], $0xF7A  }
0x23: {  	s9 =	sor.u32 $0xD0000000, s2;
	s6 =	simm.s32 $0x108;
	_ =	swait.ge @!p0 [sflag:s8], $0x0  }
0x24: {  	s3 =	sadd.s32 $0x88, s3;
	s6 =	simm.s32 @!p1 $0x1082;
	[sflag:s4] =	ssyncset.s32 $0xFFFFF086  }
0x25: {  	[simem:s6], [sflag:s4] =	dma.local [hbm:s3], $0xF7A  }
0x26: {  	[smem:$0x3F93] =	sst s1;
	(tag) =	ssettag s2;
	_ =	strace s9  }
0x27: {  	s1 =	sld [smem:$0x3FA3]  }
0x28: {  	s2 =	sld [smem:$0x3FA4]  }
0x29: {  	s4 =	sld [smem:$0x3FA6]  }
0x2a: {  	p0 =	seq.s32 s5, $0x0;
	s5 =	sld [smem:$0x3FA7]  }
0x2b: {  	s6 =	sld [smem:$0x3FA8]  }
0x2c: {  	s7 =	sld [smem:$0x3FA9]  }
0x2d: {  	s3 =	simm.s32 $0x108;
	s8 =	sld [smem:$0x3FAA]  }
0x2e: {  	s3 =	simm.s32 @!p0 $0x1082;
	s9 =	sld [smem:$0x3FAB]  }
0x2f: {  	lr =	sadd.s32 s0, s3;
	s0 =	sld [smem:$0x3FA2]  }
0x30: {  	s3 =	sld [smem:$0x3FA5]  }
0x31: {  	[smem:$0x3FAE] =	sst s10  }
0x32: {  	s10 =	sld [smem:$0x3FAC];
	_ =	sdelay $0x3  }
0x33: {  	p0 =	seq.s32 s10, $0x1;
	s10 =	sld [smem:$0x3FAE];
	_ =	sdelay $0x3  }
0x34: {  	[smem:$0x3FAE] =	sst s10  }
0x35: {  	s10 =	sld [smem:$0x3FAD];
	_ =	sdelay $0x3  }
0x36: {  	p1 =	seq.s32 s10, $0x1;
	s10 =	sld [smem:$0x3FAE];
	_ =	sdelay $0x3  }
0x37: {  	[smem:$0x3FAE] =	sst s10  }
0x38: {  	s10 =	sld [smem:$0x3FAF]  }
0x39: {  	_ = 	snop;
	(pc) =	sbr.ind lr, $3  }
0x3a: {  	_ = 	snop  }
0x3b: {  	_ = 	snop  }
0x3c: {  	p2 =	seq.s32 s10, $0x1;
	s10 =	sld [smem:$0x3FAE]  }
0x3d: {  	_ =	shalt  }
0x3e: {  	_ =	shalt  }
0x3f: {  	_ =	shalt  }
0x40: {  	_ =	shalt  }
0x41: {  	_ =	shalt  }
0x42: {  	_ =	shalt  }
0x43: {  	_ =	shalt  }
0x44: {  	_ =	shalt  }
0x45: {  	_ =	shalt  }
0x46: {  	_ =	shalt  }
0x47: {  	_ =	shalt  }
0x48: {  	_ =	shalt  }
0x49: {  	_ =	shalt  }
0x4a: {  	_ =	shalt  }
0x4b: {  	_ =	shalt  }
0x4c: {  	_ =	shalt  }
0x4d: {  	_ =	shalt  }
0x4e: {  	_ =	shalt  }
0x4f: {  	_ =	shalt  }
0x50: {  	_ =	shalt  }
0x51: {  	_ =	shalt  }
0x52: {  	_ =	shalt  }
0x53: {  	_ =	shalt  }
0x54: {  	_ =	shalt  }
0x55: {  	_ =	shalt  }
0x56: {  	_ =	shalt  }
0x57: {  	_ =	shalt  }
0x58: {  	_ =	shalt  }
0x59: {  	_ =	shalt  }
0x5a: {  	_ =	shalt  }
0x5b: {  	_ =	shalt  }
0x5c: {  	_ =	shalt  }
0x5d: {  	_ =	shalt  }
0x5e: {  	_ =	shalt  }
0x5f: {  	_ =	shalt  }
0x60: {  	_ =	shalt  }
0x61: {  	_ =	shalt  }
0x62: {  	_ =	shalt  }
0x63: {  	_ =	shalt  }
0x64: {  	_ =	shalt  }
0x65: {  	_ =	shalt  }
0x66: {  	_ =	shalt  }
0x67: {  	_ =	shalt  }
0x68: {  	_ =	shalt  }
0x69: {  	_ =	shalt  }
0x6a: {  	_ =	shalt  }
0x6b: {  	_ =	shalt  }
0x6c: {  	_ =	shalt  }
0x6d: {  	_ =	shalt  }
0x6e: {  	_ =	shalt  }
0x6f: {  	_ =	shalt  }
0x70: {  	_ =	shalt  }
0x71: {  	_ =	shalt  }
0x72: {  	_ =	shalt  }
0x73: {  	_ =	shalt  }
0x74: {  	_ =	shalt  }
0x75: {  	_ =	shalt  }
0x76: {  	_ =	shalt  }
0x77: {  	_ =	shalt  }
0x78: {  	_ =	shalt  }
0x79: {  	_ =	shalt  }
0x7a: {  	_ =	shalt  }
0x7b: {  	_ =	shalt  }
0x7c: {  	_ =	shalt  }
0x7d: {  	_ =	shalt  }
0x7e: {  	_ =	shalt  }
0x7f: {  	_ =	shalt  }
0x80: {  	_ =	shalt  }
0x81: {  	_ =	shalt  }
0x82: {  	_ =	shalt  }
0x83: {  	_ =	shalt  }
0x84: {  	_ =	shalt  }
0x85: {  	_ =	shalt  }
0x86: {  	_ =	shalt  }
0x87: {  	_ =	shalt  }
.Lfunc_end0:
.L_simem_size_0:
called_computation_lowered:
.L_overlay_start_0:
0x88: {  	s2 =	sld [smem:$0x3FD9]  }
0x89: {  	s3 =	sld [smem:$0x3FFE];
	_ =	sdelay $0x1  }
0x8a: {  	s1 =	srdreg.scid  }
0x8b: {  	s0 =	sand.u32 $0x1, s1  }
0x8c: {  	s14 =	sshll.u32 s0, $0xA;
	s2 =	sadd.s32 s3, s2  }
0x8d: {  	s2 =	sadd.s32 s2, s14  }
0x8e: {  	[smem:$0x3FBA] =	sst s2  }
0x8f: {  	_ = 	snop  }
0x90: {  	s2 =	sld [smem:$0x3FD0];
	_ =	sdelay $0x2  }
0x91: {  	s4 =	simm.s32 $0xA;
	s5 =	simm.s32 $0x10;
	s15 =	sld [smem:$0x3FC8]  }
0x92: {  	[smem:s5], [sflag:s4] =	dma.local [hbm:s2], $0x1  }
0x93: {  	_ =	swait.eq [sflag:s4], $0x1  }
0x94: {  	[sflag:s4] =	ssyncset.done $0x0  }
0x95: {  	[sflag:s4] =	ssyncadd.s32 $0xFFFFFFFF  }
0x96: {  	s16 =	sld [smem:$0x11];
	(tm) =	ssettm $0x1  }
0x97: {  	s17 =	sld [smem:$0x3FFB];
	_ =	sdelay $0x3  }
0x98: {  	_ =	strace s17  }
0x99: {  	s4 =	sld [smem:$0x3FFC];
	_ =	sdelay $0x3  }
0x9a: {  	_ =	strace s4  }
0x9b: {  	s4 =	sld [smem:$0x3FFD];
	_ =	sdelay $0x3  }
0x9c: {  	_ =	strace s4  }
0x9d: {  	_ =	strace $0x8FFFFFFF  }
0x9e: {  	s18 =	sld [smem:$0x3FDB];
	_ =	sdelay $0x1  }
0x9f: {  	s19 =	simm.s32 $_scs_section_size  }
0xa0: {  	s6 =	simm.s32 $_size__tile_overlayer_lowered;
	s7 =	simm.s32 $_tile_overlayer_lowered  }
0xa1: {  	s22 =	simm.s32 $0x1BFF;
	s21 =	sshll.u32 s7, $0x1;
	s4 =	sadd.s32 s19, s18  }
0xa2: {  	s8 =	simm.s32 $0x0;
	s20 =	sshll.u32 s6, $0x1;
	s6 =	sadd.s32 s21, s4  }
0xa3: {  	[timem:s8], [sflag:s22] =	dma.local [hbm:s6], s20  }
0xa4: {  	_ =	swait.ge [sflag:s22], s20  }
0xa5: {  	s5 =	ssub.s32 $0x0, s20;
	[sflag:s22] =	ssyncset.done $0x0  }
0xa6: {  	[sflag:s22] =	ssyncadd.s32 s5;
	_ =	sdelay $0x1  }
0xa7: {  	s23 =	simm.s32 $0x1B8B  }
0xa8: {  	_ =	swait.ge [sflag:s23], $0x1  }
0xa9: {  	[sflag:s23] =	ssyncset.done $0x0  }
0xaa: {  	s25 =	simm.s32 $0x1B8E;
	s24 =	sld [smem:$0x3FFE];
	[sflag:s23] =	ssyncadd.s32 $0xFFFFFFFF  }
0xab: {  	s26 =	simm.s32 $execute0_lowered;
	[smem:$0x3FD2] =	sst s25  }
0xac: {  	s6 =	sshll.u32 s26, $0x1;
	_ =	strace $0x80000046;
	[dreg:$0x1] =	wrdreg $0xFFFFFFFF  }
0xad: {  	s28 =	simm.s32 $_size_execute0_lowered;
	s4 =	sadd.s32 s4, s6;
	[dreg:$0x0] =	wrdreg $0x0  }
0xae: {  	s6 =	sshll.u32 s28, $0x1;
	[dreg:$0x2] =	wrdreg s4  }
0xaf: {  	[dreg:$0x3] =	wrdreg s6  }
0xb0: {  	[dreg:$0x4] =	wrdreg $0xC0  }
0xb1: {  	_ =	task [dreg:s8], $0x5FFFF  }
0xb2: {  	[dreg:$0x1] =	wrdreg $0xFFFFFFFF  }
0xb3: {  	[dreg:$0x0] =	wrdreg $0x60  }
0xb4: {  	[dreg:$0x2] =	wrdreg s16  }
0xb5: {  	[dreg:$0x3] =	wrdreg s15  }
0xb6: {  	[dreg:$0x4] =	wrdreg s24  }
0xb7: {  	[dreg:$0x5] =	wrdreg $0x83000  }
0xb8: {  	[dreg:$0x6] =	wrdreg $0x9  }
0xb9: {  	_ =	task.clear_ibuf [dreg:s8], $0x7FFFF;
	_ =	strace $0x90000046  }
0xba: {  	s29 =	simm.s32 $0x9;
	_ =	strace $0x80000048  }
0xbb: {  	_ =	swait.ge [sflag:s29], $0x1  }
0xbc: {  	[sflag:s29] =	ssyncadd.s32 $0xFFFFFFFF  }
0xbd: {  	_ =	strace $0x90000048  }
0xbe: {  	_ =	sfence  }
0xbf: {  	s30 =	sld [smem:$0x0];
	_ =	sdelay $0x2  }
0xc0: {  	s31 =	sshll.u32 s1, $0xD;
	s1 =	sshrl.u32 s1, $0x2  }
0xc1: {  	s3 =	sand.u32 $0x4000, s31;
	s1 =	sadd.s32 s1, s30  }
0xc2: {  	s0 =	sor.u32 s3, s0;
	s1 =	sshll.u32 s1, $0x11  }
0xc3: {  	s0 =	sor.u32 s1, s0  }
0xc4: {  	s0 =	sadd.s32 $0x8F2B, s0  }
0xc5: {  	[sflag:s0] =	ssyncadd.remote.s32 $0x1  }
0xc6: {  	_ =	sfence.sel $0xFFFF  }
0xc7: {  	[dreg:$0x0] =	wrdreg $0xFFFFFFFF;
	(pc) =	sbr.abs _section_cstart, $3  }
0xc8: {  	[dreg:$0x1] =	wrdreg $0xFFFFFFFF  }
0xc9: {  	_ =	task.clear_ibuf [dreg:s8], $0x2FFFF;
	_ =	strace $0x9FFFFFFF  }
0xca: {  	(tm) =	ssettm $0x7FFFFFFF  }
0xcb: {  	_ =	shalt  }
tec
execute0_lowered:
.L_overlay_start_1:
0x0: {  	(tag) =	ssettag $0x1  }
0x1: {  	s1 =	rddreg [dreg:$0x0]  }
0x2: {  	s2 =	rddreg [dreg:$0x1]  }
0x3: {  	s6 =	rddreg [dreg:$0x2];
	s4 =	srdreg.scid  }
0x4: {  	s0 =	stileid.u32;
	s3 =	rddreg [dreg:$0x3]  }
0x5: {  	s19 =	simm.s32 $0x2;
	s20 =	simm.s32 $0x80;
	s21 =	simm.s32 $0x300  }
0x6: {  	s22 =	simm.s32 $0x3;
	s31 =	simm.s32 $0x180;
	s28 =	simm.s32 $0x280  }
0x7: {  	s30 =	simm.s32 $0x0;
	s12 =	sand.u32 $0x1, s4;
	s9 =	smul.u32 $0x4E000, s0  }
0x8: {  	s5 =	sshll.u32 s0, $0x1;
	s4 =	simm.s32 $0x0;
	s16 =	smul.u32 $0x13800, s0  }
0x9: {  	s14 =	sadd.s32 $0x5200, s6;
	s26 =	smul.u32 $0x1380, s0;
	p0 =	seq.s32 s0, $0xF  }
0xa: {  	p1 =	sgt.u32 s0, $0x1;
	s11 =	sor.u32 s12, s5;
	s13 =	smul.u32 $0x138800, s12  }
0xb: {  	[smem:$0x7FF] =	sst s4;
	s8 =	ssub.s32 $0x2, s12;
	s17 =	smul.u32 $0x9C0, s12  }
0xc: {  	s5 =	sadd.s32 $0x2A00, s6;
	s7 =	smul.u32 $0x9C0, s11;
	_ =	strace $0x80000047  }
0xd: {  	s10 =	sshrl.u32 s8, $0x1;
	s23 =	sshrl.u32 s9, $0x2;
	s9 =	sadd.s32 $0x124800, s3  }
0xe: {  	s11 =	sshll.u32 s11, $0x5;
	[dreg:$0x5] =	wrdreg s31;
	s15 =	ssub.s32 s8, s10  }
0xf: {  	s24 =	sshrl.u32 s13, $0x3;
	s8 =	sadd.s32 s23, s3;
	s11 =	sadd.s32 s11, s2  }
0x10: {  	s13 =	sadd.s32 s16, s13;
	[dreg:$0x6] =	wrdreg s9;
	s16 =	sshrl.u32 @p0 s9, $0x3  }
0x11: {  	s23 =	simm.s32 $0x4300;
	s6 =	sadd.s32 s2, s7;
	s25 =	sadd.s32 s14, s24  }
0x12: {  	s29 =	sadd.s32 $0x13800, s11;
	s13 =	sshrl.u32 s13, $0x3;
	s2 =	sadd.s32 s26, s2  }
.Ltmp0:
0x13: {  	s18 =	sshrl.u32 @!p0 s8, $0x3;
	s24 =	simm.s32 $0x1;
	(pc) =	sbr.rel .LBB2_1-.Ltmp0, $4  }
0x14: {  	s26 =	simm.s32 $0x4;
	s7 =	sadd.s32 $0x20, s6;
	s10 =	sadd.s32 $0x24900, s25  }
0x15: {  	[dreg:$0x8] =	wrdreg s29;
	s12 =	sadd.s32 s14, s13;
	s13 =	smax.u32 s15, $0x1  }
0x16: {  	s14 =	sadd.s32 s17, s2;
	s2 =	sshll.u32 @!p0 s0, $0x6;
	s15 =	simm.s32 $0x100  }
0x17: {  	s25 =	simm.s32 $0x200;
	[dreg:$0x7] =	wrdreg s10;
	s17 =	sor.u32 @!p0 $0x1C04, s2  }
.LBB2_7:
0x18: {  	s0 =	rddreg [dreg:$0x6]  }
0x19: {  	s2 =	rddreg [dreg:$0x7];
	s9 =	simm.s32 $0x1FC4;
	s0 =	sshrl.u32 s0, $0x3  }
0x1a: {  	[hbm:s2], [sflag:s9] =	dma.local [spmem:s0], $0x2800  }
0x1b: {  	_ =	swait.ge [sflag:s26], $0x2800  }
0x1c: {  	[sflag:s26] =	ssyncset.done $0x0  }
0x1d: {  	[sflag:s26] =	ssyncadd.s32 $0xFFFFD800  }
.LBB2_8:
0x1e: {  	s30 =	sadd.s32 $0x1, s30  }
0x1f: {  	p2 =	sne.s32 s30, s13  }
.Ltmp1:
0x20: {  	_ = 	snop;
	(pc) =	sbr.rel @!p2 .LBB2_9-.Ltmp1, $1  }
0x21: {  	_ =	sdelay $0x3  }
.LBB2_1:
0x22: {  	[tilespmem:s4], [sflag:$0x2] =	stream.linear.gather [hbm4b:s6+s4], $0x100, $0x38;
	[tilespmem:$0x1BB80] =	vst v63  }
0x23: {  	s2 =	simm.s32 @p0 $0x1FC4  }
0x24: {  	[tilespmem:s15], [sflag:$0x3] =	stream.linear.gather [hbm4b:s7+s4], $0x100, $0x38;
	[tilespmem:$0x1BB80] =	vst v63  }
0x25: {  	[spmem:s16], [sflag:s2] =	dma.local @p0 [hbm:s5], $0x2800  }
0x26: {  	s2 =	simm.s32 @p0 $0x4  }
0x27: {  	_ =	swait.ge @p0 [sflag:s2], $0x2800  }
0x28: {  	[sflag:s2] =	ssyncset.done @p0 $0x0  }
0x29: {  	[sflag:s2] =	ssyncadd.s32 @p0 $0xFFFFD800;
	s2 =	simm.s32 @!p0 $0x4  }
0x2a: {  	[spmem:s18], [sflag:s17] =	dma.local @!p0 [hbm:s5], $0x2700  }
0x2b: {  	_ =	swait.ge @!p0 [sflag:s2], $0x2700  }
0x2c: {  	[sflag:s2] =	ssyncset.done @!p0 $0x0  }
0x2d: {  	[sflag:s2] =	ssyncadd.s32 @!p0 $0xFFFFD900  }
0x2e: {  	[bflag:$0x0] =	sbarrier.arrive $0xFFFF  }
0x2f: {  	_ =	swait.ge [sflag:s19], $0x100  }
0x30: {  	[sflag:s19] =	ssyncset.done $0x0  }
0x31: {  	[sflag:s19] =	ssyncadd.s32 $0xFFFFFF00  }
0x32: {  	[tilespmem:s21], [sflag:$0x1] =	stream.indirect.gather [hbm4b:s1+s20], $0x80, s4, s20, $0xb8;
	[tilespmem:$0x1BB80] =	vst v63  }
0x33: {  	_ =	swait.ge [sflag:s22], $0x100  }
0x34: {  	[sflag:s22] =	ssyncset.done $0x0  }
0x35: {  	[sflag:s22] =	ssyncadd.s32 $0xFFFFFF00  }
0x36: {  	[tilespmem:s23], [sflag:$0x2] =	stream.indirect.gather [hbm4b:s1+s20], $0x80, s15, s20, $0xb8;
	[tilespmem:$0x1BB80] =	vst v63  }
0x37: {  	_ =	swait.ge [sflag:s24], $0x4000  }
0x38: {  	s9 =	sadd.s32 $0x0, s14;
	[sflag:s24] =	ssyncset.done $0x0  }
0x39: {  	s29 =	sadd.s32 $0x40, s9;
	[sflag:s24] =	ssyncadd.s32 $0xFFFFC000  }
0x3a: {  	[tilespmem:s25], [sflag:$0x3] =	stream.linear.gather [hbm4b:s29+s4], $0x100, $0x38;
	[tilespmem:$0x1BB80] =	vst v63  }
0x3b: {  	_ = 	snop  }
0x3c: {  	[spmem:s3] =	stream.indirect.scatter.add.f32 [tilespmem:s21], [sflag:$0x4], $0x80, s20, s20, $0xb8;
	[tilespmem:$0x1BB80] =	vst v63  }
0x3d: {  	_ =	swait.ge [sflag:s26], $0x4000  }
0x3e: {  	[sflag:s26] =	ssyncset.done $0x0  }
0x3f: {  	[sflag:s26] =	ssyncadd.s32 $0xFFFFC000  }
0x40: {  	_ =	swait.ge [sflag:s22], $0x100  }
0x41: {  	[sflag:s22] =	ssyncset.done $0x0  }
0x42: {  	[sflag:s22] =	ssyncadd.s32 $0xFFFFFF00  }
0x43: {  	[tilespmem:s21], [sflag:$0x1] =	stream.indirect.gather [hbm4b:s1+s20], $0x80, s25, s20, $0xb8;
	[tilespmem:$0x1BB80] =	vst v63  }
0x44: {  	_ =	swait.ge [sflag:s19], $0x4000  }
0x45: {  	[sflag:s19] =	ssyncset.done $0x0  }
0x46: {  	s10 =	sadd.s32 $0x60, s9;
	[sflag:s19] =	ssyncadd.s32 $0xFFFFC000  }
0x47: {  	[tilespmem:s4], [sflag:$0x3] =	stream.linear.gather [hbm4b:s10+s4], $0x100, $0x38;
	[tilespmem:$0x1BB80] =	vst v63  }
0x48: {  	s31 =	rddreg [dreg:$0x5]  }
0x49: {  	[spmem:s3] =	stream.indirect.scatter.add.f32 [tilespmem:s23], [sflag:$0x4], $0x80, s31, s20, $0xb8;
	[tilespmem:$0x1BB80] =	vst v63  }
0x4a: {  	_ =	swait.ge [sflag:s26], $0x4000  }
0x4b: {  	[sflag:s26] =	ssyncset.done $0x0  }
0x4c: {  	[sflag:s26] =	ssyncadd.s32 $0xFFFFC000  }
0x4d: {  	_ =	swait.ge [sflag:s22], $0x100  }
0x4e: {  	[sflag:s22] =	ssyncset.done $0x0  }
0x4f: {  	[sflag:s22] =	ssyncadd.s32 $0xFFFFFF00  }
0x50: {  	[tilespmem:s23], [sflag:$0x2] =	stream.indirect.gather [hbm4b:s1+s20], $0x80, s4, s20, $0xb8;
	[tilespmem:$0x1BB80] =	vst v63  }
0x51: {  	_ =	swait.ge [sflag:s24], $0x4000  }
0x52: {  	[sflag:s24] =	ssyncset.done $0x0  }
0x53: {  	s11 =	sadd.s32 $0x80, s9;
	[sflag:s24] =	ssyncadd.s32 $0xFFFFC000  }
0x54: {  	[tilespmem:s15], [sflag:$0x3] =	stream.linear.gather [hbm4b:s11+s4], $0x100, $0x38;
	[tilespmem:$0x1BB80] =	vst v63  }
0x55: {  	_ = 	snop  }
0x56: {  	[spmem:s3] =	stream.indirect.scatter.add.f32 [tilespmem:s21], [sflag:$0x4], $0x80, s28, s20, $0xb8;
	[tilespmem:$0x1BB80] =	vst v63  }
0x57: {  	_ =	swait.ge [sflag:s26], $0x4000  }
0x58: {  	[sflag:s26] =	ssyncset.done $0x0  }
0x59: {  	[sflag:s26] =	ssyncadd.s32 $0xFFFFC000  }
0x5a: {  	_ =	swait.ge [sflag:s22], $0x100  }
0x5b: {  	[sflag:s22] =	ssyncset.done $0x0  }
0x5c: {  	[sflag:s22] =	ssyncadd.s32 $0xFFFFFF00  }
0x5d: {  	[tilespmem:s21], [sflag:$0x1] =	stream.indirect.gather [hbm4b:s1+s20], $0x80, s15, s20, $0xb8;
	[tilespmem:$0x1BB80] =	vst v63  }
0x5e: {  	_ =	swait.ge [sflag:s19], $0x4000  }
0x5f: {  	[sflag:s19] =	ssyncset.done $0x0  }
0x60: {  	s2 =	sadd.s32 $0xA0, s9;
	[sflag:s19] =	ssyncadd.s32 $0xFFFFC000  }
0x61: {  	[tilespmem:s25], [sflag:$0x3] =	stream.linear.gather [hbm4b:s2+s4], $0x100, $0x38;
	[tilespmem:$0x1BB80] =	vst v63  }
0x62: {  	_ = 	snop  }
0x63: {  	[spmem:s3] =	stream.indirect.scatter.add.f32 [tilespmem:s23], [sflag:$0x4], $0x80, s20, s20, $0xb8;
	[tilespmem:$0x1BB80] =	vst v63  }
0x64: {  	_ =	swait.ge [sflag:s26], $0x4000  }
0x65: {  	[sflag:s26] =	ssyncset.done $0x0  }
0x66: {  	[sflag:s26] =	ssyncadd.s32 $0xFFFFC000  }
0x67: {  	_ =	swait.ge [sflag:s22], $0x100  }
0x68: {  	[sflag:s22] =	ssyncset.done $0x0  }
0x69: {  	[sflag:s22] =	ssyncadd.s32 $0xFFFFFF00  }
0x6a: {  	[tilespmem:s23], [sflag:$0x2] =	stream.indirect.gather [hbm4b:s1+s20], $0x80, s25, s20, $0xb8;
	[tilespmem:$0x1BB80] =	vst v63  }
0x6b: {  	p2 =	por $0x1, $0x1;
	_ =	swait.ge [sflag:s24], $0x4000  }
0x6c: {  	s2 =	sadd.s32 @p2 $0x0, s14;
	[sflag:s24] =	ssyncset.done $0x0  }
0x6d: {  	s31 =	simm.s32 @p2 $0x0;
	s29 =	sadd.s32 @p2 $0xC0, s2;
	[sflag:s24] =	ssyncadd.s32 $0xFFFFC000  }
0x6e: {  	[tilespmem:s31], [sflag:$0x3] =	stream.linear.gather @p2 [hbm4b:s29+s31], $0x100, $0x38;
	[tilespmem:$0x1BB80] =	vst v63  }
0x6f: {  	s9 =	simm.s32 @p2 $0x300;
	s10 =	simm.s32 @p2 $0x180;
	s29 =	simm.s32 @p2 $0x80  }
0x70: {  	[spmem:s3] =	stream.indirect.scatter.add.f32 @p2 [tilespmem:s9], [sflag:$0x4], $0x80, s10, s29, $0xb8;
	[tilespmem:$0x1BB80] =	vst v63  }
0x71: {  	s10 =	simm.s32 @p2 $0x4  }
0x72: {  	_ =	swait.ge @p2 [sflag:s10], $0x4000  }
0x73: {  	[sflag:s10] =	ssyncset.done @p2 $0x0  }
0x74: {  	[sflag:s10] =	ssyncadd.s32 @p2 $0xFFFFC000;
	s10 =	simm.s32 @p2 $0x3  }
0x75: {  	_ =	swait.ge @p2 [sflag:s10], $0x100  }
0x76: {  	[sflag:s10] =	ssyncset.done @p2 $0x0  }
0x77: {  	[sflag:s10] =	ssyncadd.s32 @p2 $0xFFFFFF00  }
0x78: {  	[tilespmem:s9], [sflag:$0x1] =	stream.indirect.gather @p2 [hbm4b:s1+s29], $0x80, s31, s29, $0xb8;
	[tilespmem:$0x1BB80] =	vst v63  }
0x79: {  	s9 =	simm.s32 @p2 $0x2  }
0x7a: {  	_ =	swait.ge @p2 [sflag:s9], $0x4000  }
0x7b: {  	[sflag:s9] =	ssyncset.done @p2 $0x0  }
0x7c: {  	s2 =	sadd.s32 @p2 $0xE0, s2;
	[sflag:s9] =	ssyncadd.s32 @p2 $0xFFFFC000;
	s9 =	simm.s32 @p2 $0x100  }
0x7d: {  	[tilespmem:s9], [sflag:$0x3] =	stream.linear.gather @p2 [hbm4b:s2+s31], $0x100, $0x38;
	[tilespmem:$0x1BB80] =	vst v63  }
0x7e: {  	s10 =	simm.s32 @!p2 $0x300;
	s2 =	simm.s32 @!p2 $0x80;
	s9 =	simm.s32 @!p2 $0x180  }
0x7f: {  	[spmem:s3] =	stream.indirect.scatter.add.f32 @!p2 [tilespmem:s10], [sflag:$0x4], $0x80, s9, s2, $0xb8;
	[tilespmem:$0x1BB80] =	vst v63  }
0x80: {  	s2 =	simm.s32 @!p2 $0x4  }
0x81: {  	_ =	swait.ge @!p2 [sflag:s2], $0x4000  }
0x82: {  	[sflag:s2] =	ssyncset.done @!p2 $0x0  }
0x83: {  	[sflag:s2] =	ssyncadd.s32 @!p2 $0xFFFFC000;
	s2 =	simm.s32 @!p2 $0x2  }
0x84: {  	_ =	swait.ge @!p2 [sflag:s2], $0x4000  }
0x85: {  	[sflag:s2] =	ssyncset.done @!p2 $0x0  }
0x86: {  	[sflag:s2] =	ssyncadd.s32 @!p2 $0xFFFFC000  }
0x87: {  	[spmem:s3] =	stream.indirect.scatter.add.f32 [tilespmem:s23], [sflag:$0x4], $0x80, s28, s20, $0xb8;
	[tilespmem:$0x1BB80] =	vst v63  }
0x88: {  	_ =	swait.ge [sflag:s26], $0x4000  }
0x89: {  	s31 =	simm.s32 $0xC0;
	[sflag:s26] =	ssyncset.done $0x0  }
.LBB2_2:
0x8a: {  	[sflag:s26] =	ssyncadd.s32 $0xFFFFC000  }
0x8b: {  	_ =	swait.ge [sflag:s22], $0x100  }
0x8c: {  	[sflag:s22] =	ssyncset.done $0x0  }
0x8d: {  	[sflag:s22] =	ssyncadd.s32 $0xFFFFFF00  }
0x8e: {  	[tilespmem:s23], [sflag:$0x2] =	stream.indirect.gather [hbm4b:s1+s20], $0x80, s15, s20, $0xb8;
	[tilespmem:$0x1BB80] =	vst v63  }
0x8f: {  	s2 =	smov.u32 s31;
	_ =	swait.ge [sflag:s24], $0x4000  }
0x90: {  	s29 =	sadd.s32 s2, s14;
	[sflag:s24] =	ssyncset.done $0x0  }
0x91: {  	s9 =	sadd.s32 $0x40, s29;
	[sflag:s24] =	ssyncadd.s32 $0xFFFFC000  }
0x92: {  	[tilespmem:s25], [sflag:$0x3] =	stream.linear.gather [hbm4b:s9+s4], $0x100, $0x38;
	[tilespmem:$0x1BB80] =	vst v63  }
0x93: {  	_ = 	snop  }
0x94: {  	[spmem:s3] =	stream.indirect.scatter.add.f32 [tilespmem:s21], [sflag:$0x4], $0x80, s20, s20, $0xb8;
	[tilespmem:$0x1BB80] =	vst v63  }
0x95: {  	_ =	swait.ge [sflag:s26], $0x4000  }
0x96: {  	[sflag:s26] =	ssyncset.done $0x0  }
0x97: {  	[sflag:s26] =	ssyncadd.s32 $0xFFFFC000  }
0x98: {  	_ =	swait.ge [sflag:s22], $0x100  }
0x99: {  	[sflag:s22] =	ssyncset.done $0x0  }
0x9a: {  	[sflag:s22] =	ssyncadd.s32 $0xFFFFFF00  }
0x9b: {  	[tilespmem:s21], [sflag:$0x1] =	stream.indirect.gather [hbm4b:s1+s20], $0x80, s25, s20, $0xb8;
	[tilespmem:$0x1BB80] =	vst v63  }
0x9c: {  	_ =	swait.ge [sflag:s19], $0x4000  }
0x9d: {  	[sflag:s19] =	ssyncset.done $0x0  }
0x9e: {  	s0 =	sadd.s32 $0x60, s29;
	[sflag:s19] =	ssyncadd.s32 $0xFFFFC000  }
0x9f: {  	[tilespmem:s4], [sflag:$0x3] =	stream.linear.gather [hbm4b:s0+s4], $0x100, $0x38;
	[tilespmem:$0x1BB80] =	vst v63  }
0xa0: {  	s10 =	rddreg [dreg:$0x5]  }
0xa1: {  	[spmem:s3] =	stream.indirect.scatter.add.f32 [tilespmem:s23], [sflag:$0x4], $0x80, s10, s20, $0xb8;
	[tilespmem:$0x1BB80] =	vst v63  }
0xa2: {  	_ =	swait.ge [sflag:s26], $0x4000  }
0xa3: {  	[sflag:s26] =	ssyncset.done $0x0  }
0xa4: {  	[sflag:s26] =	ssyncadd.s32 $0xFFFFC000  }
0xa5: {  	_ =	swait.ge [sflag:s22], $0x100  }
0xa6: {  	[sflag:s22] =	ssyncset.done $0x0  }
0xa7: {  	[sflag:s22] =	ssyncadd.s32 $0xFFFFFF00  }
0xa8: {  	[tilespmem:s23], [sflag:$0x2] =	stream.indirect.gather [hbm4b:s1+s20], $0x80, s4, s20, $0xb8;
	[tilespmem:$0x1BB80] =	vst v63  }
0xa9: {  	_ =	swait.ge [sflag:s24], $0x4000  }
0xaa: {  	[sflag:s24] =	ssyncset.done $0x0  }
0xab: {  	s11 =	sadd.s32 $0x80, s29;
	[sflag:s24] =	ssyncadd.s32 $0xFFFFC000  }
0xac: {  	[tilespmem:s15], [sflag:$0x3] =	stream.linear.gather [hbm4b:s11+s4], $0x100, $0x38;
	[tilespmem:$0x1BB80] =	vst v63  }
0xad: {  	_ = 	snop  }
0xae: {  	[spmem:s3] =	stream.indirect.scatter.add.f32 [tilespmem:s21], [sflag:$0x4], $0x80, s28, s20, $0xb8;
	[tilespmem:$0x1BB80] =	vst v63  }
0xaf: {  	_ =	swait.ge [sflag:s26], $0x4000  }
0xb0: {  	[sflag:s26] =	ssyncset.done $0x0  }
0xb1: {  	[sflag:s26] =	ssyncadd.s32 $0xFFFFC000  }
0xb2: {  	_ =	swait.ge [sflag:s22], $0x100  }
0xb3: {  	[sflag:s22] =	ssyncset.done $0x0  }
0xb4: {  	[sflag:s22] =	ssyncadd.s32 $0xFFFFFF00  }
0xb5: {  	[tilespmem:s21], [sflag:$0x1] =	stream.indirect.gather [hbm4b:s1+s20], $0x80, s15, s20, $0xb8;
	[tilespmem:$0x1BB80] =	vst v63  }
0xb6: {  	_ =	swait.ge [sflag:s19], $0x4000  }
0xb7: {  	[sflag:s19] =	ssyncset.done $0x0  }
0xb8: {  	s29 =	sadd.s32 $0xA0, s29;
	[sflag:s19] =	ssyncadd.s32 $0xFFFFC000  }
0xb9: {  	[tilespmem:s25], [sflag:$0x3] =	stream.linear.gather [hbm4b:s29+s4], $0x100, $0x38;
	[tilespmem:$0x1BB80] =	vst v63  }
0xba: {  	_ = 	snop  }
0xbb: {  	[spmem:s3] =	stream.indirect.scatter.add.f32 [tilespmem:s23], [sflag:$0x4], $0x80, s20, s20, $0xb8;
	[tilespmem:$0x1BB80] =	vst v63  }
0xbc: {  	_ =	swait.ge [sflag:s26], $0x4000  }
0xbd: {  	[sflag:s26] =	ssyncset.done $0x0  }
0xbe: {  	[sflag:s26] =	ssyncadd.s32 $0xFFFFC000  }
0xbf: {  	_ =	swait.ge [sflag:s22], $0x100  }
0xc0: {  	[sflag:s22] =	ssyncset.done $0x0  }
0xc1: {  	[sflag:s22] =	ssyncadd.s32 $0xFFFFFF00  }
0xc2: {  	[tilespmem:s23], [sflag:$0x2] =	stream.indirect.gather [hbm4b:s1+s20], $0x80, s25, s20, $0xb8;
	[tilespmem:$0x1BB80] =	vst v63  }
0xc3: {  	p3 =	sne.s32 s2, $0x900;
	_ =	swait.ge [sflag:s24], $0x4000  }
0xc4: {  	s2 =	sadd.s32 @p3 s2, s14;
	s9 =	simm.s32 @p3 $0x4;
	[sflag:s24] =	ssyncset.done $0x0  }
0xc5: {  	s10 =	sadd.s32 @p3 $0xC0, s2;
	s29 =	simm.s32 @p3 $0x0;
	[sflag:s24] =	ssyncadd.s32 $0xFFFFC000  }
0xc6: {  	[tilespmem:s29], [sflag:$0x3] =	stream.linear.gather @p3 [hbm4b:s10+s29], $0x100, $0x38;
	[tilespmem:$0x1BB80] =	vst v63  }
0xc7: {  	s0 =	simm.s32 @p3 $0x180;
	s11 =	simm.s32 @p3 $0x300;
	s10 =	simm.s32 @p3 $0x80  }
0xc8: {  	[spmem:s3] =	stream.indirect.scatter.add.f32 @p3 [tilespmem:s11], [sflag:$0x4], $0x80, s0, s10, $0xb8;
	[tilespmem:$0x1BB80] =	vst v63  }
0xc9: {  	_ =	swait.ge @p3 [sflag:s9], $0x4000  }
0xca: {  	[sflag:s9] =	ssyncset.done @p3 $0x0  }
0xcb: {  	s0 =	sadd.s32 @p3 $0xE0, s2;
	s2 =	simm.s32 @p3 $0x3;
	[sflag:s9] =	ssyncadd.s32 @p3 $0xFFFFC000  }
0xcc: {  	_ =	swait.ge @p3 [sflag:s2], $0x100  }
0xcd: {  	[sflag:s2] =	ssyncset.done @p3 $0x0  }
0xce: {  	[sflag:s2] =	ssyncadd.s32 @p3 $0xFFFFFF00;
	s2 =	simm.s32 @p3 $0x2  }
0xcf: {  	[tilespmem:s11], [sflag:$0x1] =	stream.indirect.gather @p3 [hbm4b:s1+s10], $0x80, s29, s10, $0xb8;
	[tilespmem:$0x1BB80] =	vst v63  }
0xd0: {  	_ =	swait.ge @p3 [sflag:s2], $0x4000  }
0xd1: {  	[sflag:s2] =	ssyncset.done @p3 $0x0  }
0xd2: {  	s9 =	simm.s32 @!p3 $0x4;
	[sflag:s2] =	ssyncadd.s32 @p3 $0xFFFFC000;
	s2 =	simm.s32 @p3 $0x100  }
0xd3: {  	[tilespmem:s2], [sflag:$0x3] =	stream.linear.gather @p3 [hbm4b:s0+s29], $0x100, $0x38;
	[tilespmem:$0x1BB80] =	vst v63  }
0xd4: {  	s10 =	simm.s32 @!p3 $0x300;
	s0 =	simm.s32 @!p3 $0x80;
	s2 =	simm.s32 @!p3 $0x180  }
0xd5: {  	[spmem:s3] =	stream.indirect.scatter.add.f32 @!p3 [tilespmem:s10], [sflag:$0x4], $0x80, s2, s0, $0xb8;
	[tilespmem:$0x1BB80] =	vst v63  }
0xd6: {  	_ =	swait.ge @!p3 [sflag:s9], $0x4000  }
0xd7: {  	[sflag:s9] =	ssyncset.done @!p3 $0x0  }
0xd8: {  	s31 =	sadd.s32 $0xC0, s31;
	s0 =	simm.s32 @!p3 $0x2;
	[sflag:s9] =	ssyncadd.s32 @!p3 $0xFFFFC000  }
0xd9: {  	p2 =	sne.s32 s31, $0x9C0;
	_ =	swait.ge @!p3 [sflag:s0], $0x4000  }
.Ltmp2:
0xda: {  	[sflag:s0] =	ssyncset.done @!p3 $0x0;
	(pc) =	sbr.rel @p2 .LBB2_2-.Ltmp2, $4  }
0xdb: {  	[sflag:s0] =	ssyncadd.s32 @!p3 $0xFFFFC000  }
0xdc: {  	[spmem:s3] =	stream.indirect.scatter.add.f32 [tilespmem:s23], [sflag:$0x4], $0x80, s28, s20, $0xb8;
	[tilespmem:$0x1BB80] =	vst v63  }
0xdd: {  	_ =	swait.ge [sflag:s26], $0x4000  }
0xde: {  	[sflag:s26] =	ssyncset.done $0x0  }
.Ltmp3:
0xdf: {  	(pc) =	sbr.rel @p1 .LBB2_5-.Ltmp3, $2  }
0xe0: {  	_ =	sdelay $0x2  }
0xe1: {  	[sflag:s26] =	ssyncadd.s32 $0xFFFFC000  }
0xe2: {  	s0 =	rddreg [dreg:$0x8]  }
0xe3: {  	[tilespmem:s4], [sflag:$0x4] =	stream.linear.gather [hbm4b:s0+s4], $0x100, $0x38;
	[tilespmem:$0x1BB80] =	vst v63  }
0xe4: {  	_ =	swait.ge [sflag:s26], $0x100  }
0xe5: {  	[sflag:s26] =	ssyncset.done $0x0  }
0xe6: {  	[sflag:s26] =	ssyncadd.s32 $0xFFFFFF00  }
0xe7: {  	[tilespmem:s21], [sflag:$0x1] =	stream.indirect.gather [hbm4b:s1+s20], $0x80, s4, s20, $0xb8;
	[tilespmem:$0x1BB80] =	vst v63  }
0xe8: {  	_ =	swait.ge [sflag:s24], $0x4000  }
0xe9: {  	[sflag:s24] =	ssyncset.done $0x0  }
0xea: {  	[sflag:s24] =	ssyncadd.s32 $0xFFFFC000  }
0xeb: {  	[spmem:s3] =	stream.indirect.scatter.add.f32 [tilespmem:s21], [sflag:$0x4], $0x80, s20, s20, $0xb8;
	[tilespmem:$0x1BB80] =	vst v63  }
.Ltmp4:
0xec: {  	_ =	swait.ge [sflag:s26], $0x4000;
	(pc) =	sbr.rel .LBB2_6-.Ltmp4, $3  }
0xed: {  	[sflag:s26] =	ssyncset.done $0x0  }
0xee: {  	[sflag:s26] =	ssyncadd.s32 $0xFFFFC000  }
0xef: {  	[bflag:$0x0] =	sbarrier.arrive $0xFFFF;
	_ =	sdelay $0x1  }
.LBB2_5:
.Ltmp5:
0xf0: {  	(pc) =	sbr.rel @p0 .LBB2_7-.Ltmp5, $2  }
0xf1: {  	_ =	sdelay $0x1  }
0xf2: {  	[bflag:$0x0] =	sbarrier.arrive $0xFFFF;
	_ =	sdelay $0x1  }
.LBB2_6:
0xf3: {  	s0 =	stileid.u32  }
0xf4: {  	s0 =	sshll.u32 s0, $0x6  }
.Ltmp6:
0xf5: {  	s2 =	sshrl.u32 s8, $0x3;
	s0 =	sor.u32 $0x1C04, s0;
	(pc) =	sbr.rel .LBB2_8-.Ltmp6, $4  }
0xf6: {  	[hbm:s12], [sflag:s0] =	dma.local [spmem:s2], $0x2700  }
0xf7: {  	_ =	swait.ge [sflag:s26], $0x2700  }
0xf8: {  	[sflag:s26] =	ssyncset.done $0x0  }
0xf9: {  	[sflag:s26] =	ssyncadd.s32 $0xFFFFD900  }
.LBB2_9:
0xfa: {  	_ =	sfence.sel $0x180000  }
0xfb: {  	[bflag:$0x0] =	sbarrier.arrive $0xFFFF  }
0xfc: {  	_ =	strace $0x90000047  }
0xfd: {  	s0 =	stileid.u32;
	[bflag:$0x2] =	sbarrier.arrive $0xFFFF  }
0xfe: {  	p0 =	sne.s32 s0, $0x0;
	s0 =	rddreg [dreg:$0x4]  }
0xff: {  	s0 =	sadd.s32 @!p0 $0x100000, s0  }
0x100: {  	[sflag:s0] =	ssyncadd.tile.s32 @!p0 $0x1;
	_ =	shalt  }
.Lfunc_end2:
_tile_overlayer_lowered:
.L_overlay_start_2:
0x101: {  	(tag) =	ssettag $0x2  }
0x102: {  	s0 =	rddreg [dreg:$0x0];
	s2 =	stileid.u32  }
0x103: {  	s1 =	rddreg [dreg:$0x1];
	p0 =	sne.s32 s2, $0x0  }
0x104: {  	s3 =	rddreg [dreg:$0x2];
	[bflag:$0x3] =	sbarrier.arrive $0xFFFF;
	s2 =	simm.s32 @!p0 $0x1C04  }
0x105: {  	[timem:s3], [sflag:s2] =	dma.local @!p0 [hbm:s0], s1  }
0x106: {  	s0 =	simm.s32 @!p0 $0x4  }
0x107: {  	_ =	swait.ge @!p0 [sflag:s0], s1  }
0x108: {  	s1 =	ssub.s32 @!p0 $0x0, s1;
	[sflag:s0] =	ssyncset.done @!p0 $0x0  }
0x109: {  	[sflag:s0] =	ssyncadd.s32 @!p0 s1  }
0x10a: {  	[bflag:$0x3] =	sbarrier.arrive $0xFFFF  }
0x10b: {  	_ =	shalt  }

</sc_bundles>
